<compile_context>
chip_gen: v7x
topology: tpu7x:2x2x1
jax: 0.10.2.dev20260603
libtpu: 0.0.44.dev20260713+nightly
codegen_flags: <defaults>
</compile_context>

<pallas_src>
import functools

import jax
import jax.numpy as jnp
from jax import lax
from jax.experimental import pallas as pl
from jax.experimental.pallas import tpu as pltpu
from jax.experimental.pallas import tpu_sc as plsc

VOCAB = 1000000
HALF = 32
N_EMBD = 64

NC = 2
NS = 16
NW = NC * NS
B, T = 4096, 50
N = B * T
PER_W = N // NW
CHUNK = 128
NCHUNK = PER_W // CHUNK
NB = 5
NGROUP = NCHUNK // NB
OUT_CH = CHUNK * N_EMBD


def _body(idx_hbm, real_hbm, imag_hbm, out_hbm,
          idx_v, real_v, imag_v, out_v, sem_r, sem_i, sem_o):
    wid = lax.axis_index("c") * NS + lax.axis_index("s")
    pltpu.sync_copy(idx_hbm.at[wid], idx_v)

    lanes = lax.iota(jnp.int32, 16)
    cols_r0 = 2 * lanes
    cols_i0 = cols_r0 + 1
    cols_r1 = cols_r0 + 32
    cols_i1 = cols_r0 + 33

    def fire(ci, b):
        pltpu.async_copy(real_hbm.at[idx_v.at[ci]], real_v.at[b], sem_r)
        pltpu.async_copy(imag_hbm.at[idx_v.at[ci]], imag_v.at[b], sem_i)

    for b in range(NB - 1):
        fire(b, b)

    def group_body(g, _):
        ci0 = g * NB
        for b in range(NB):
            ci = ci0 + b
            pltpu.make_async_copy(
                real_hbm.at[idx_v.at[ci]], real_v.at[b], sem_r).wait()
            pltpu.make_async_copy(
                imag_hbm.at[idx_v.at[ci]], imag_v.at[b], sem_i).wait()

            @pl.when(ci >= NB)
            def _():
                pltpu.make_async_copy(
                    out_v.at[b],
                    out_hbm.at[wid, pl.ds((ci - NB) * OUT_CH, OUT_CH)],
                    sem_o).wait()

            @plsc.parallel_loop(0, CHUNK, step=1, unroll=8)
            def _row(r):
                base = r * N_EMBD
                plsc.store_scatter(
                    out_v.at[b], [base + cols_r0], real_v[b, r, pl.ds(0, 16)])
                plsc.store_scatter(
                    out_v.at[b], [base + cols_i0], imag_v[b, r, pl.ds(0, 16)])
                plsc.store_scatter(
                    out_v.at[b], [base + cols_r1], real_v[b, r, pl.ds(16, 16)])
                plsc.store_scatter(
                    out_v.at[b], [base + cols_i1], imag_v[b, r, pl.ds(16, 16)])

            @pl.when(ci + NB - 1 < NCHUNK)
            def _():
                fire(ci + NB - 1, (b + NB - 1) % NB)

            pltpu.async_copy(
                out_v.at[b],
                out_hbm.at[wid, pl.ds(ci * OUT_CH, OUT_CH)], sem_o)
        return 0

    lax.fori_loop(0, NGROUP, group_body, 0)

    for b in range(NB):
        ci = NCHUNK - NB + b
        pltpu.make_async_copy(
            out_v.at[b],
            out_hbm.at[wid, pl.ds(ci * OUT_CH, OUT_CH)], sem_o).wait()


@jax.jit
def _spinor_embed(idx3, embed_real, embed_imag):
    mesh = plsc.VectorSubcoreMesh(core_axis_name="c", subcore_axis_name="s")
    run = pl.kernel(
        _body,
        out_type=jax.ShapeDtypeStruct((NW, PER_W * N_EMBD), jnp.float32),
        mesh=mesh,
        scratch_types=[
            pltpu.VMEM((NCHUNK, CHUNK), jnp.int32),
            pltpu.VMEM((NB, CHUNK, HALF), jnp.float32),
            pltpu.VMEM((NB, CHUNK, HALF), jnp.float32),
            pltpu.VMEM((NB, OUT_CH), jnp.float32),
            pltpu.SemaphoreType.DMA,
            pltpu.SemaphoreType.DMA,
            pltpu.SemaphoreType.DMA,
        ],
        compiler_params=pltpu.CompilerParams(
            needs_layout_passes=False, use_tc_tiling_on_sc=False),
    )
    return run(idx3, embed_real, embed_imag)


def kernel(idx, embed_real, embed_imag):
    idx3 = idx.astype(jnp.int32).reshape(NW, NCHUNK, CHUNK)
    out = _spinor_embed(idx3, embed_real, embed_imag)
    return out.reshape(B, T, N_EMBD)

# --- scband reference (transcript-rebuilt; emitter-appended) ---
"""Pipeline reference for scband-spinor-embedding-17162689315551 (READ-ONLY COPY).

The authoritative reference and input builder live on the scoring server;
editing this copy changes nothing except your own understanding.
"""

import jax, jax.numpy as jnp
import numpy as np

VOCAB = 1000000
N_EMBD = 64
HALF = N_EMBD // 2

def setup_inputs(seed: int = 0) -> dict:
    key = jax.random.key(seed)
    k1, k2, k3 = jax.random.split(key, 3)
    idx = jax.random.randint(k1, (4096, 50), 0, VOCAB, dtype=jnp.int64 if jax.config.jax_enable_x64 else jnp.int32)
    embed_real = jax.random.normal(k2, (VOCAB, HALF), dtype=jnp.float32) * 0.02
    embed_imag = jax.random.normal(k3, (VOCAB, HALF), dtype=jnp.float32) * 0.02
    return {"idx": idx, "embed_real": embed_real, "embed_imag": embed_imag}

def reference(idx, embed_real, embed_imag):
    # SpinorEmbedding.forward with normalize=False
    real = jnp.take(embed_real, idx, axis=0)  # (B, T, HALF)
    imag = jnp.take(embed_imag, idx, axis=0)  # (B, T, HALF)
    # interleave real/imag: stack on last dim then flatten last two dims
    embed = jnp.stack([real, imag], axis=-1).reshape(real.shape[:-1] + (N_EMBD,))
    return embed

if __name__ == "__main__":
    import jax
    _d = setup_inputs()
    print(jax.jit(kernel)(*tuple(_d.values())))

</pallas_src>

<mosaic_0001>
#map = affine_map<(d0, d1) -> (0, 0, 0)>
#map1 = affine_map<(d0, d1) -> (0, 0)>
module attributes {stable_mosaic.version = 14 : i64} {
  func.func @_body(%arg0: i32, %arg1: i32, %arg2: memref<32x50x128xi32, #tpu.memory_space<hbm>>, %arg3: memref<1000000x32xf32, #tpu.memory_space<hbm>>, %arg4: memref<1000000x32xf32, #tpu.memory_space<hbm>>, %arg5: memref<32x409600xf32, #tpu.memory_space<hbm>>, %arg6: memref<50x128xi32, #tpu.memory_space<vmem>>, %arg7: memref<5x128x32xf32, #tpu.memory_space<vmem>>, %arg8: memref<5x128x32xf32, #tpu.memory_space<vmem>>, %arg9: memref<5x8192xf32, #tpu.memory_space<vmem>>, %arg10: memref<!tpu.dma_semaphore, #tpu.memory_space<semaphore_mem>>, %arg11: memref<!tpu.dma_semaphore, #tpu.memory_space<semaphore_mem>>, %arg12: memref<!tpu.dma_semaphore, #tpu.memory_space<semaphore_mem>>) attributes {dimension_semantics = [#tpu.dimension_semantics<core_parallel>, #tpu.dimension_semantics<subcore_parallel>], iteration_bounds = array<i64: 2, 16>, scalar_prefetch = 0 : i64, scratch_operands = 7 : i64, tpu.core_type = #tpu.core_type<sc_vector_subcore>, window_params = [{transform_indices = #map}, {transform_indices = #map1}, {transform_indices = #map1}, {transform_indices = #map1}]} {
    %mul3A = arith.constant 16 : i32
    %mul3A_0 = arith.muli %arg0, %mul3A : i32
    %add3A = arith.addi %mul3A_0, %arg1 : i32
    "tpu.region"() ({
      %run_scoped3A = tpu.sem_alloc : memref<!tpu.dma_semaphore, #tpu.memory_space<semaphore_mem>>
      %dma_start3A_178 = arith.constant 0 : i32
      %dma_start3A_179 = arith.constant 0 : i32
      %dma_start3A_180 = tpu.memref_slice %arg2[%add3A, %dma_start3A_178, %dma_start3A_179] : memref<32x50x128xi32, #tpu.memory_space<hbm>> -> memref<1x50x128xi32, #tpu.memory_space<hbm>>
      %dma_start3A_181 = tpu.memref_squeeze %dma_start3A_180 : memref<1x50x128xi32, #tpu.memory_space<hbm>> -> memref<50x128xi32, #tpu.memory_space<hbm>>
      %dma_start3A_182 = arith.constant 0 : i32
      %dma_start3A_183 = arith.constant 0 : i32
      %dma_start3A_184 = tpu.memref_slice %arg2[%add3A, %dma_start3A_182, %dma_start3A_183] : memref<32x50x128xi32, #tpu.memory_space<hbm>> -> memref<1x50x128xi32, #tpu.memory_space<hbm>>
      %dma_start3A_185 = tpu.memref_squeeze %dma_start3A_184 : memref<1x50x128xi32, #tpu.memory_space<hbm>> -> memref<50x128xi32, #tpu.memory_space<hbm>>
      tpu.enqueue_dma source(%dma_start3A_185 : memref<50x128xi32, #tpu.memory_space<hbm>>) target(%arg6 : memref<50x128xi32, #tpu.memory_space<vmem>>) target_semaphore(%run_scoped3A : memref<!tpu.dma_semaphore, #tpu.memory_space<semaphore_mem>>)
      %dma_wait3A_186 = arith.constant 0 : i32
      %dma_wait3A_187 = arith.constant 0 : i32
      %dma_wait3A_188 = tpu.memref_slice %arg2[%add3A, %dma_wait3A_186, %dma_wait3A_187] : memref<32x50x128xi32, #tpu.memory_space<hbm>> -> memref<1x50x128xi32, #tpu.memory_space<hbm>>
      %dma_wait3A_189 = tpu.memref_squeeze %dma_wait3A_188 : memref<1x50x128xi32, #tpu.memory_space<hbm>> -> memref<50x128xi32, #tpu.memory_space<hbm>>
      %dma_wait3A_190 = arith.constant 0 : i32
      %dma_wait3A_191 = arith.constant 0 : i32
      %dma_wait3A_192 = tpu.memref_slice %arg2[%add3A, %dma_wait3A_190, %dma_wait3A_191] : memref<32x50x128xi32, #tpu.memory_space<hbm>> -> memref<1x50x128xi32, #tpu.memory_space<hbm>>
      %dma_wait3A_193 = tpu.memref_squeeze %dma_wait3A_192 : memref<1x50x128xi32, #tpu.memory_space<hbm>> -> memref<50x128xi32, #tpu.memory_space<hbm>>
      tpu.wait_dma2 semaphore(%run_scoped3A : memref<!tpu.dma_semaphore, #tpu.memory_space<semaphore_mem>>) src(%dma_wait3A_193 : memref<50x128xi32, #tpu.memory_space<hbm>>) dst(%arg6 : memref<50x128xi32, #tpu.memory_space<vmem>>)
      tpu.yield
    }) : () -> ()
    %iota3A = tpu.iota {dimensions = array<i32: 0>} : vector<16xi32>
    %mul3A_1 = arith.constant 2 : i32
    %mul3A_2 = vector.broadcast %mul3A_1 : i32 to vector<16xi32>
    %mul3A_3 = arith.muli %mul3A_2, %iota3A : vector<16xi32>
    %add3A_4 = arith.constant 1 : i32
    %add3A_5 = vector.broadcast %add3A_4 : i32 to vector<16xi32>
    %add3A_6 = arith.addi %mul3A_3, %add3A_5 : vector<16xi32>
    %add3A_7 = arith.constant 32 : i32
    %add3A_8 = vector.broadcast %add3A_7 : i32 to vector<16xi32>
    %add3A_9 = arith.addi %mul3A_3, %add3A_8 : vector<16xi32>
    %add3A_10 = arith.constant 33 : i32
    %add3A_11 = vector.broadcast %add3A_10 : i32 to vector<16xi32>
    %add3A_12 = arith.addi %mul3A_3, %add3A_11 : vector<16xi32>
    %dma_start3A = arith.constant 0 : i32
    %dma_start3A_13 = arith.constant 0 : i32
    %dma_start3A_14 = arith.constant 0 : i32
    %dma_start3A_15 = arith.constant 0 : i32
    %dma_start3A_16 = tpu.memref_slice %arg7[%dma_start3A_13, %dma_start3A_14, %dma_start3A_15] : memref<5x128x32xf32, #tpu.memory_space<vmem>> -> memref<1x128x32xf32, #tpu.memory_space<vmem>>
    %dma_start3A_17 = tpu.memref_squeeze %dma_start3A_16 : memref<1x128x32xf32, #tpu.memory_space<vmem>> -> memref<128x32xf32, #tpu.memory_space<vmem>>
    %dma_start3A_18 = arith.constant 0 : i32
    %dma_start3A_19 = tpu.memref_slice %arg6[%dma_start3A, %dma_start3A_18] : memref<50x128xi32, #tpu.memory_space<vmem>> -> memref<1x128xi32, #tpu.memory_space<vmem>>
    %dma_start3A_20 = tpu.memref_squeeze %dma_start3A_19 : memref<1x128xi32, #tpu.memory_space<vmem>> -> memref<128xi32, #tpu.memory_space<vmem>>
    %dma_start3A_21 = arith.constant 0 : i32
    %dma_start3A_22 = arith.constant 0 : i32
    %dma_start3A_23 = tpu.memref_slice %arg3[%dma_start3A_21, %dma_start3A_22] : memref<1000000x32xf32, #tpu.memory_space<hbm>> -> memref<1000000x32xf32, #tpu.memory_space<hbm>>
    tpu.enqueue_indirect_dma source(%dma_start3A_23 : memref<1000000x32xf32, #tpu.memory_space<hbm>>) target(%dma_start3A_17 : memref<128x32xf32, #tpu.memory_space<vmem>>) offsets(%dma_start3A_20 : memref<128xi32, #tpu.memory_space<vmem>>) semaphore(%arg10 : memref<!tpu.dma_semaphore, #tpu.memory_space<semaphore_mem>>)
    %dma_start3A_24 = arith.constant 0 : i32
    %dma_start3A_25 = arith.constant 0 : i32
    %dma_start3A_26 = arith.constant 0 : i32
    %dma_start3A_27 = arith.constant 0 : i32
    %dma_start3A_28 = tpu.memref_slice %arg8[%dma_start3A_25, %dma_start3A_26, %dma_start3A_27] : memref<5x128x32xf32, #tpu.memory_space<vmem>> -> memref<1x128x32xf32, #tpu.memory_space<vmem>>
    %dma_start3A_29 = tpu.memref_squeeze %dma_start3A_28 : memref<1x128x32xf32, #tpu.memory_space<vmem>> -> memref<128x32xf32, #tpu.memory_space<vmem>>
    %dma_start3A_30 = arith.constant 0 : i32
    %dma_start3A_31 = tpu.memref_slice %arg6[%dma_start3A_24, %dma_start3A_30] : memref<50x128xi32, #tpu.memory_space<vmem>> -> memref<1x128xi32, #tpu.memory_space<vmem>>
    %dma_start3A_32 = tpu.memref_squeeze %dma_start3A_31 : memref<1x128xi32, #tpu.memory_space<vmem>> -> memref<128xi32, #tpu.memory_space<vmem>>
    %dma_start3A_33 = arith.constant 0 : i32
    %dma_start3A_34 = arith.constant 0 : i32
    %dma_start3A_35 = tpu.memref_slice %arg4[%dma_start3A_33, %dma_start3A_34] : memref<1000000x32xf32, #tpu.memory_space<hbm>> -> memref<1000000x32xf32, #tpu.memory_space<hbm>>
    tpu.enqueue_indirect_dma source(%dma_start3A_35 : memref<1000000x32xf32, #tpu.memory_space<hbm>>) target(%dma_start3A_29 : memref<128x32xf32, #tpu.memory_space<vmem>>) offsets(%dma_start3A_32 : memref<128xi32, #tpu.memory_space<vmem>>) semaphore(%arg11 : memref<!tpu.dma_semaphore, #tpu.memory_space<semaphore_mem>>)
    %dma_start3A_36 = arith.constant 1 : i32
    %dma_start3A_37 = arith.constant 1 : i32
    %dma_start3A_38 = arith.constant 0 : i32
    %dma_start3A_39 = arith.constant 0 : i32
    %dma_start3A_40 = tpu.memref_slice %arg7[%dma_start3A_37, %dma_start3A_38, %dma_start3A_39] : memref<5x128x32xf32, #tpu.memory_space<vmem>> -> memref<1x128x32xf32, #tpu.memory_space<vmem>>
    %dma_start3A_41 = tpu.memref_squeeze %dma_start3A_40 : memref<1x128x32xf32, #tpu.memory_space<vmem>> -> memref<128x32xf32, #tpu.memory_space<vmem>>
    %dma_start3A_42 = arith.constant 0 : i32
    %dma_start3A_43 = tpu.memref_slice %arg6[%dma_start3A_36, %dma_start3A_42] : memref<50x128xi32, #tpu.memory_space<vmem>> -> memref<1x128xi32, #tpu.memory_space<vmem>>
    %dma_start3A_44 = tpu.memref_squeeze %dma_start3A_43 : memref<1x128xi32, #tpu.memory_space<vmem>> -> memref<128xi32, #tpu.memory_space<vmem>>
    %dma_start3A_45 = arith.constant 0 : i32
    %dma_start3A_46 = arith.constant 0 : i32
    %dma_start3A_47 = tpu.memref_slice %arg3[%dma_start3A_45, %dma_start3A_46] : memref<1000000x32xf32, #tpu.memory_space<hbm>> -> memref<1000000x32xf32, #tpu.memory_space<hbm>>
    tpu.enqueue_indirect_dma source(%dma_start3A_47 : memref<1000000x32xf32, #tpu.memory_space<hbm>>) target(%dma_start3A_41 : memref<128x32xf32, #tpu.memory_space<vmem>>) offsets(%dma_start3A_44 : memref<128xi32, #tpu.memory_space<vmem>>) semaphore(%arg10 : memref<!tpu.dma_semaphore, #tpu.memory_space<semaphore_mem>>)
    %dma_start3A_48 = arith.constant 1 : i32
    %dma_start3A_49 = arith.constant 1 : i32
    %dma_start3A_50 = arith.constant 0 : i32
    %dma_start3A_51 = arith.constant 0 : i32
    %dma_start3A_52 = tpu.memref_slice %arg8[%dma_start3A_49, %dma_start3A_50, %dma_start3A_51] : memref<5x128x32xf32, #tpu.memory_space<vmem>> -> memref<1x128x32xf32, #tpu.memory_space<vmem>>
    %dma_start3A_53 = tpu.memref_squeeze %dma_start3A_52 : memref<1x128x32xf32, #tpu.memory_space<vmem>> -> memref<128x32xf32, #tpu.memory_space<vmem>>
    %dma_start3A_54 = arith.constant 0 : i32
    %dma_start3A_55 = tpu.memref_slice %arg6[%dma_start3A_48, %dma_start3A_54] : memref<50x128xi32, #tpu.memory_space<vmem>> -> memref<1x128xi32, #tpu.memory_space<vmem>>
    %dma_start3A_56 = tpu.memref_squeeze %dma_start3A_55 : memref<1x128xi32, #tpu.memory_space<vmem>> -> memref<128xi32, #tpu.memory_space<vmem>>
    %dma_start3A_57 = arith.constant 0 : i32
    %dma_start3A_58 = arith.constant 0 : i32
    %dma_start3A_59 = tpu.memref_slice %arg4[%dma_start3A_57, %dma_start3A_58] : memref<1000000x32xf32, #tpu.memory_space<hbm>> -> memref<1000000x32xf32, #tpu.memory_space<hbm>>
    tpu.enqueue_indirect_dma source(%dma_start3A_59 : memref<1000000x32xf32, #tpu.memory_space<hbm>>) target(%dma_start3A_53 : memref<128x32xf32, #tpu.memory_space<vmem>>) offsets(%dma_start3A_56 : memref<128xi32, #tpu.memory_space<vmem>>) semaphore(%arg11 : memref<!tpu.dma_semaphore, #tpu.memory_space<semaphore_mem>>)
    %dma_start3A_60 = arith.constant 2 : i32
    %dma_start3A_61 = arith.constant 2 : i32
    %dma_start3A_62 = arith.constant 0 : i32
    %dma_start3A_63 = arith.constant 0 : i32
    %dma_start3A_64 = tpu.memref_slice %arg7[%dma_start3A_61, %dma_start3A_62, %dma_start3A_63] : memref<5x128x32xf32, #tpu.memory_space<vmem>> -> memref<1x128x32xf32, #tpu.memory_space<vmem>>
    %dma_start3A_65 = tpu.memref_squeeze %dma_start3A_64 : memref<1x128x32xf32, #tpu.memory_space<vmem>> -> memref<128x32xf32, #tpu.memory_space<vmem>>
    %dma_start3A_66 = arith.constant 0 : i32
    %dma_start3A_67 = tpu.memref_slice %arg6[%dma_start3A_60, %dma_start3A_66] : memref<50x128xi32, #tpu.memory_space<vmem>> -> memref<1x128xi32, #tpu.memory_space<vmem>>
    %dma_start3A_68 = tpu.memref_squeeze %dma_start3A_67 : memref<1x128xi32, #tpu.memory_space<vmem>> -> memref<128xi32, #tpu.memory_space<vmem>>
    %dma_start3A_69 = arith.constant 0 : i32
    %dma_start3A_70 = arith.constant 0 : i32
    %dma_start3A_71 = tpu.memref_slice %arg3[%dma_start3A_69, %dma_start3A_70] : memref<1000000x32xf32, #tpu.memory_space<hbm>> -> memref<1000000x32xf32, #tpu.memory_space<hbm>>
    tpu.enqueue_indirect_dma source(%dma_start3A_71 : memref<1000000x32xf32, #tpu.memory_space<hbm>>) target(%dma_start3A_65 : memref<128x32xf32, #tpu.memory_space<vmem>>) offsets(%dma_start3A_68 : memref<128xi32, #tpu.memory_space<vmem>>) semaphore(%arg10 : memref<!tpu.dma_semaphore, #tpu.memory_space<semaphore_mem>>)
    %dma_start3A_72 = arith.constant 2 : i32
    %dma_start3A_73 = arith.constant 2 : i32
    %dma_start3A_74 = arith.constant 0 : i32
    %dma_start3A_75 = arith.constant 0 : i32
    %dma_start3A_76 = tpu.memref_slice %arg8[%dma_start3A_73, %dma_start3A_74, %dma_start3A_75] : memref<5x128x32xf32, #tpu.memory_space<vmem>> -> memref<1x128x32xf32, #tpu.memory_space<vmem>>
    %dma_start3A_77 = tpu.memref_squeeze %dma_start3A_76 : memref<1x128x32xf32, #tpu.memory_space<vmem>> -> memref<128x32xf32, #tpu.memory_space<vmem>>
    %dma_start3A_78 = arith.constant 0 : i32
    %dma_start3A_79 = tpu.memref_slice %arg6[%dma_start3A_72, %dma_start3A_78] : memref<50x128xi32, #tpu.memory_space<vmem>> -> memref<1x128xi32, #tpu.memory_space<vmem>>
    %dma_start3A_80 = tpu.memref_squeeze %dma_start3A_79 : memref<1x128xi32, #tpu.memory_space<vmem>> -> memref<128xi32, #tpu.memory_space<vmem>>
    %dma_start3A_81 = arith.constant 0 : i32
    %dma_start3A_82 = arith.constant 0 : i32
    %dma_start3A_83 = tpu.memref_slice %arg4[%dma_start3A_81, %dma_start3A_82] : memref<1000000x32xf32, #tpu.memory_space<hbm>> -> memref<1000000x32xf32, #tpu.memory_space<hbm>>
    tpu.enqueue_indirect_dma source(%dma_start3A_83 : memref<1000000x32xf32, #tpu.memory_space<hbm>>) target(%dma_start3A_77 : memref<128x32xf32, #tpu.memory_space<vmem>>) offsets(%dma_start3A_80 : memref<128xi32, #tpu.memory_space<vmem>>) semaphore(%arg11 : memref<!tpu.dma_semaphore, #tpu.memory_space<semaphore_mem>>)
    %dma_start3A_84 = arith.constant 3 : i32
    %dma_start3A_85 = arith.constant 3 : i32
    %dma_start3A_86 = arith.constant 0 : i32
    %dma_start3A_87 = arith.constant 0 : i32
    %dma_start3A_88 = tpu.memref_slice %arg7[%dma_start3A_85, %dma_start3A_86, %dma_start3A_87] : memref<5x128x32xf32, #tpu.memory_space<vmem>> -> memref<1x128x32xf32, #tpu.memory_space<vmem>>
    %dma_start3A_89 = tpu.memref_squeeze %dma_start3A_88 : memref<1x128x32xf32, #tpu.memory_space<vmem>> -> memref<128x32xf32, #tpu.memory_space<vmem>>
    %dma_start3A_90 = arith.constant 0 : i32
    %dma_start3A_91 = tpu.memref_slice %arg6[%dma_start3A_84, %dma_start3A_90] : memref<50x128xi32, #tpu.memory_space<vmem>> -> memref<1x128xi32, #tpu.memory_space<vmem>>
    %dma_start3A_92 = tpu.memref_squeeze %dma_start3A_91 : memref<1x128xi32, #tpu.memory_space<vmem>> -> memref<128xi32, #tpu.memory_space<vmem>>
    %dma_start3A_93 = arith.constant 0 : i32
    %dma_start3A_94 = arith.constant 0 : i32
    %dma_start3A_95 = tpu.memref_slice %arg3[%dma_start3A_93, %dma_start3A_94] : memref<1000000x32xf32, #tpu.memory_space<hbm>> -> memref<1000000x32xf32, #tpu.memory_space<hbm>>
    tpu.enqueue_indirect_dma source(%dma_start3A_95 : memref<1000000x32xf32, #tpu.memory_space<hbm>>) target(%dma_start3A_89 : memref<128x32xf32, #tpu.memory_space<vmem>>) offsets(%dma_start3A_92 : memref<128xi32, #tpu.memory_space<vmem>>) semaphore(%arg10 : memref<!tpu.dma_semaphore, #tpu.memory_space<semaphore_mem>>)
    %dma_start3A_96 = arith.constant 3 : i32
    %dma_start3A_97 = arith.constant 3 : i32
    %dma_start3A_98 = arith.constant 0 : i32
    %dma_start3A_99 = arith.constant 0 : i32
    %dma_start3A_100 = tpu.memref_slice %arg8[%dma_start3A_97, %dma_start3A_98, %dma_start3A_99] : memref<5x128x32xf32, #tpu.memory_space<vmem>> -> memref<1x128x32xf32, #tpu.memory_space<vmem>>
    %dma_start3A_101 = tpu.memref_squeeze %dma_start3A_100 : memref<1x128x32xf32, #tpu.memory_space<vmem>> -> memref<128x32xf32, #tpu.memory_space<vmem>>
    %dma_start3A_102 = arith.constant 0 : i32
    %dma_start3A_103 = tpu.memref_slice %arg6[%dma_start3A_96, %dma_start3A_102] : memref<50x128xi32, #tpu.memory_space<vmem>> -> memref<1x128xi32, #tpu.memory_space<vmem>>
    %dma_start3A_104 = tpu.memref_squeeze %dma_start3A_103 : memref<1x128xi32, #tpu.memory_space<vmem>> -> memref<128xi32, #tpu.memory_space<vmem>>
    %dma_start3A_105 = arith.constant 0 : i32
    %dma_start3A_106 = arith.constant 0 : i32
    %dma_start3A_107 = tpu.memref_slice %arg4[%dma_start3A_105, %dma_start3A_106] : memref<1000000x32xf32, #tpu.memory_space<hbm>> -> memref<1000000x32xf32, #tpu.memory_space<hbm>>
    tpu.enqueue_indirect_dma source(%dma_start3A_107 : memref<1000000x32xf32, #tpu.memory_space<hbm>>) target(%dma_start3A_101 : memref<128x32xf32, #tpu.memory_space<vmem>>) offsets(%dma_start3A_104 : memref<128xi32, #tpu.memory_space<vmem>>) semaphore(%arg11 : memref<!tpu.dma_semaphore, #tpu.memory_space<semaphore_mem>>)
    %scan3A = arith.constant 0 : i32
    %scan3A_108 = arith.constant 0 : i32
    %scan3A_109 = arith.constant 10 : i32
    %scan3A_110 = arith.addi %scan3A_108, %scan3A_109 : i32
    %scan3A_111 = arith.constant 1 : i32
    %scan3A_112 = scf.for %scan3A_178 = %scan3A_108 to %scan3A_110 step %scan3A_111 iter_args(%scan3A_179 = %scan3A) -> (i32)  : i32 {
      %mul3A_180 = arith.constant 5 : i32
      %mul3A_181 = arith.muli %scan3A_178, %mul3A_180 : i32
      %add3A_182 = arith.constant 0 : i32
      %add3A_183 = arith.addi %mul3A_181, %add3A_182 : i32
      %dma_wait3A_184 = arith.constant 0 : i32
      %dma_wait3A_185 = arith.constant 0 : i32
      %dma_wait3A_186 = arith.constant 0 : i32
      %dma_wait3A_187 = tpu.memref_slice %arg7[%dma_wait3A_184, %dma_wait3A_185, %dma_wait3A_186] : memref<5x128x32xf32, #tpu.memory_space<vmem>> -> memref<1x128x32xf32, #tpu.memory_space<vmem>>
      %dma_wait3A_188 = tpu.memref_squeeze %dma_wait3A_187 : memref<1x128x32xf32, #tpu.memory_space<vmem>> -> memref<128x32xf32, #tpu.memory_space<vmem>>
      %dma_wait3A_189 = arith.constant 0 : i32
      %dma_wait3A_190 = tpu.memref_slice %arg6[%add3A_183, %dma_wait3A_189] : memref<50x128xi32, #tpu.memory_space<vmem>> -> memref<1x128xi32, #tpu.memory_space<vmem>>
      %dma_wait3A_191 = tpu.memref_squeeze %dma_wait3A_190 : memref<1x128xi32, #tpu.memory_space<vmem>> -> memref<128xi32, #tpu.memory_space<vmem>>
      %dma_wait3A_192 = arith.constant 0 : i32
      %dma_wait3A_193 = arith.constant 0 : i32
      %dma_wait3A_194 = tpu.memref_slice %arg3[%dma_wait3A_192, %dma_wait3A_193] : memref<1000000x32xf32, #tpu.memory_space<hbm>> -> memref<1000000x32xf32, #tpu.memory_space<hbm>>
      tpu.wait_indirect_dma semaphore(%arg10 : memref<!tpu.dma_semaphore, #tpu.memory_space<semaphore_mem>>) src(%dma_wait3A_194 : memref<1000000x32xf32, #tpu.memory_space<hbm>>) dst(%dma_wait3A_188 : memref<128x32xf32, #tpu.memory_space<vmem>>)
      %dma_wait3A_195 = arith.constant 0 : i32
      %dma_wait3A_196 = arith.constant 0 : i32
      %dma_wait3A_197 = arith.constant 0 : i32
      %dma_wait3A_198 = tpu.memref_slice %arg8[%dma_wait3A_195, %dma_wait3A_196, %dma_wait3A_197] : memref<5x128x32xf32, #tpu.memory_space<vmem>> -> memref<1x128x32xf32, #tpu.memory_space<vmem>>
      %dma_wait3A_199 = tpu.memref_squeeze %dma_wait3A_198 : memref<1x128x32xf32, #tpu.memory_space<vmem>> -> memref<128x32xf32, #tpu.memory_space<vmem>>
      %dma_wait3A_200 = arith.constant 0 : i32
      %dma_wait3A_201 = tpu.memref_slice %arg6[%add3A_183, %dma_wait3A_200] : memref<50x128xi32, #tpu.memory_space<vmem>> -> memref<1x128xi32, #tpu.memory_space<vmem>>
      %dma_wait3A_202 = tpu.memref_squeeze %dma_wait3A_201 : memref<1x128xi32, #tpu.memory_space<vmem>> -> memref<128xi32, #tpu.memory_space<vmem>>
      %dma_wait3A_203 = arith.constant 0 : i32
      %dma_wait3A_204 = arith.constant 0 : i32
      %dma_wait3A_205 = tpu.memref_slice %arg4[%dma_wait3A_203, %dma_wait3A_204] : memref<1000000x32xf32, #tpu.memory_space<hbm>> -> memref<1000000x32xf32, #tpu.memory_space<hbm>>
      tpu.wait_indirect_dma semaphore(%arg11 : memref<!tpu.dma_semaphore, #tpu.memory_space<semaphore_mem>>) src(%dma_wait3A_205 : memref<1000000x32xf32, #tpu.memory_space<hbm>>) dst(%dma_wait3A_199 : memref<128x32xf32, #tpu.memory_space<vmem>>)
      %ge3A = arith.constant 5 : i32
      %ge3A_206 = arith.cmpi sge, %add3A_183, %ge3A : i32
      %convert_element_type3A = arith.extui %ge3A_206 : i1 to i32
      %cond3A = arith.constant 0 : i32
      %cond3A_207 = arith.cmpi ne, %convert_element_type3A, %cond3A : i32
      scf.if %cond3A_207 {
        %sub3A_447 = arith.constant 5 : i32
        %sub3A_448 = arith.subi %add3A_183, %sub3A_447 : i32
        %mul3A_449 = arith.constant 8192 : i32
        %mul3A_450 = arith.muli %sub3A_448, %mul3A_449 : i32
        %dma_wait3A_451 = arith.constant 0 : i32
        %dma_wait3A_452 = arith.constant 0 : i32
        %dma_wait3A_453 = tpu.memref_slice %arg9[%dma_wait3A_451, %dma_wait3A_452] : memref<5x8192xf32, #tpu.memory_space<vmem>> -> memref<1x8192xf32, #tpu.memory_space<vmem>>
        %dma_wait3A_454 = tpu.memref_squeeze %dma_wait3A_453 : memref<1x8192xf32, #tpu.memory_space<vmem>> -> memref<8192xf32, #tpu.memory_space<vmem>>
        %dma_wait3A_455 = tpu.memref_slice %arg5[%add3A, %mul3A_450] : memref<32x409600xf32, #tpu.memory_space<hbm>> -> memref<1x8192xf32, #tpu.memory_space<hbm>>
        %dma_wait3A_456 = tpu.memref_squeeze %dma_wait3A_455 : memref<1x8192xf32, #tpu.memory_space<hbm>> -> memref<8192xf32, #tpu.memory_space<hbm>>
        %dma_wait3A_457 = tpu.memref_slice %arg5[%add3A, %mul3A_450] : memref<32x409600xf32, #tpu.memory_space<hbm>> -> memref<1x8192xf32, #tpu.memory_space<hbm>>
        %dma_wait3A_458 = tpu.memref_squeeze %dma_wait3A_457 : memref<1x8192xf32, #tpu.memory_space<hbm>> -> memref<8192xf32, #tpu.memory_space<hbm>>
        %dma_wait3A_459 = arith.constant 0 : i32
        %dma_wait3A_460 = tpu.memref_slice %arg9[%dma_wait3A_451, %dma_wait3A_459] : memref<5x8192xf32, #tpu.memory_space<vmem>> -> memref<1x8192xf32, #tpu.memory_space<vmem>>
        %dma_wait3A_461 = tpu.memref_squeeze %dma_wait3A_460 : memref<1x8192xf32, #tpu.memory_space<vmem>> -> memref<8192xf32, #tpu.memory_space<vmem>>
        tpu.wait_dma2 semaphore(%arg12 : memref<!tpu.dma_semaphore, #tpu.memory_space<semaphore_mem>>) src(%dma_wait3A_461 : memref<8192xf32, #tpu.memory_space<vmem>>) dst(%dma_wait3A_458 : memref<8192xf32, #tpu.memory_space<hbm>>)
      } else {
      }
      %parallel_loop3A = arith.constant 0 : i32
      %parallel_loop3A_208 = arith.constant 128 : i32
      %parallel_loop3A_209 = arith.constant 1 : i32
      scf.for %parallel_loop3A_447 = %parallel_loop3A to %parallel_loop3A_208 step %parallel_loop3A_209  : i32 {
        %parallel_loop3A_448 = arith.constant 64 : i32
        %parallel_loop3A_449 = arith.muli %parallel_loop3A_447, %parallel_loop3A_448 : i32
        %parallel_loop3A_450 = vector.broadcast %parallel_loop3A_449 : i32 to vector<16xi32>
        %parallel_loop3A_451 = arith.addi %parallel_loop3A_450, %mul3A_3 : vector<16xi32>
        %parallel_loop3A_452 = arith.constant 0 : i32
        %parallel_loop3A_453 = arith.index_cast %parallel_loop3A_452 : i32 to index
        %parallel_loop3A_454 = arith.index_cast %parallel_loop3A_447 : i32 to index
        %parallel_loop3A_455 = arith.constant 0 : index
        %parallel_loop3A_456 = tpu.vector_load %arg7[%parallel_loop3A_453, %parallel_loop3A_454, %parallel_loop3A_455] {strides = array<i32>} : memref<5x128x32xf32, #tpu.memory_space<vmem>>, vector<16xf32>,
        %parallel_loop3A_457 = arith.constant 0 : i32
        %parallel_loop3A_458 = arith.constant 0 : i32
        %parallel_loop3A_459 = tpu.memref_slice %arg9[%parallel_loop3A_457, %parallel_loop3A_458] : memref<5x8192xf32, #tpu.memory_space<vmem>> -> memref<1x8192xf32, #tpu.memory_space<vmem>>
        %parallel_loop3A_460 = tpu.memref_squeeze %parallel_loop3A_459 : memref<1x8192xf32, #tpu.memory_space<vmem>> -> memref<8192xf32, #tpu.memory_space<vmem>>
        tpu.vector_store_idx %parallel_loop3A_460[%parallel_loop3A_451], %parallel_loop3A_456 : memref<8192xf32, #tpu.memory_space<vmem>>[vector<16xi32>], vector<16xf32>,
        %parallel_loop3A_461 = vector.broadcast %parallel_loop3A_449 : i32 to vector<16xi32>
        %parallel_loop3A_462 = arith.addi %parallel_loop3A_461, %add3A_6 : vector<16xi32>
        %parallel_loop3A_463 = arith.constant 0 : i32
        %parallel_loop3A_464 = arith.index_cast %parallel_loop3A_463 : i32 to index
        %parallel_loop3A_465 = arith.index_cast %parallel_loop3A_447 : i32 to index
        %parallel_loop3A_466 = arith.constant 0 : index
        %parallel_loop3A_467 = tpu.vector_load %arg8[%parallel_loop3A_464, %parallel_loop3A_465, %parallel_loop3A_466] {strides = array<i32>} : memref<5x128x32xf32, #tpu.memory_space<vmem>>, vector<16xf32>,
        %parallel_loop3A_468 = arith.constant 0 : i32
        %parallel_loop3A_469 = arith.constant 0 : i32
        %parallel_loop3A_470 = tpu.memref_slice %arg9[%parallel_loop3A_468, %parallel_loop3A_469] : memref<5x8192xf32, #tpu.memory_space<vmem>> -> memref<1x8192xf32, #tpu.memory_space<vmem>>
        %parallel_loop3A_471 = tpu.memref_squeeze %parallel_loop3A_470 : memref<1x8192xf32, #tpu.memory_space<vmem>> -> memref<8192xf32, #tpu.memory_space<vmem>>
        tpu.vector_store_idx %parallel_loop3A_471[%parallel_loop3A_462], %parallel_loop3A_467 : memref<8192xf32, #tpu.memory_space<vmem>>[vector<16xi32>], vector<16xf32>,
        %parallel_loop3A_472 = vector.broadcast %parallel_loop3A_449 : i32 to vector<16xi32>
        %parallel_loop3A_473 = arith.addi %parallel_loop3A_472, %add3A_9 : vector<16xi32>
        %parallel_loop3A_474 = arith.constant 0 : i32
        %parallel_loop3A_475 = arith.index_cast %parallel_loop3A_474 : i32 to index
        %parallel_loop3A_476 = arith.index_cast %parallel_loop3A_447 : i32 to index
        %parallel_loop3A_477 = arith.constant 16 : index
        %parallel_loop3A_478 = tpu.vector_load %arg7[%parallel_loop3A_475, %parallel_loop3A_476, %parallel_loop3A_477] {strides = array<i32>} : memref<5x128x32xf32, #tpu.memory_space<vmem>>, vector<16xf32>,
        %parallel_loop3A_479 = arith.constant 0 : i32
        %parallel_loop3A_480 = arith.constant 0 : i32
        %parallel_loop3A_481 = tpu.memref_slice %arg9[%parallel_loop3A_479, %parallel_loop3A_480] : memref<5x8192xf32, #tpu.memory_space<vmem>> -> memref<1x8192xf32, #tpu.memory_space<vmem>>
        %parallel_loop3A_482 = tpu.memref_squeeze %parallel_loop3A_481 : memref<1x8192xf32, #tpu.memory_space<vmem>> -> memref<8192xf32, #tpu.memory_space<vmem>>
        tpu.vector_store_idx %parallel_loop3A_482[%parallel_loop3A_473], %parallel_loop3A_478 : memref<8192xf32, #tpu.memory_space<vmem>>[vector<16xi32>], vector<16xf32>,
        %parallel_loop3A_483 = vector.broadcast %parallel_loop3A_449 : i32 to vector<16xi32>
        %parallel_loop3A_484 = arith.addi %parallel_loop3A_483, %add3A_12 : vector<16xi32>
        %parallel_loop3A_485 = arith.constant 0 : i32
        %parallel_loop3A_486 = arith.index_cast %parallel_loop3A_485 : i32 to index
        %parallel_loop3A_487 = arith.index_cast %parallel_loop3A_447 : i32 to index
        %parallel_loop3A_488 = arith.constant 16 : index
        %parallel_loop3A_489 = tpu.vector_load %arg8[%parallel_loop3A_486, %parallel_loop3A_487, %parallel_loop3A_488] {strides = array<i32>} : memref<5x128x32xf32, #tpu.memory_space<vmem>>, vector<16xf32>,
        %parallel_loop3A_490 = arith.constant 0 : i32
        %parallel_loop3A_491 = arith.constant 0 : i32
        %parallel_loop3A_492 = tpu.memref_slice %arg9[%parallel_loop3A_490, %parallel_loop3A_491] : memref<5x8192xf32, #tpu.memory_space<vmem>> -> memref<1x8192xf32, #tpu.memory_space<vmem>>
        %parallel_loop3A_493 = tpu.memref_squeeze %parallel_loop3A_492 : memref<1x8192xf32, #tpu.memory_space<vmem>> -> memref<8192xf32, #tpu.memory_space<vmem>>
        tpu.vector_store_idx %parallel_loop3A_493[%parallel_loop3A_484], %parallel_loop3A_489 : memref<8192xf32, #tpu.memory_space<vmem>>[vector<16xi32>], vector<16xf32>,
      } {sc.loop_unroll_factor = 8 : i64, sc.parallel_access}
      %add3A_210 = arith.constant 5 : i32
      %add3A_211 = arith.addi %add3A_183, %add3A_210 : i32
      %sub3A = arith.constant 1 : i32
      %sub3A_212 = arith.subi %add3A_211, %sub3A : i32
      %lt3A = arith.constant 50 : i32
      %lt3A_213 = arith.cmpi slt, %sub3A_212, %lt3A : i32
      %convert_element_type3A_214 = arith.extui %lt3A_213 : i1 to i32
      %cond3A_215 = arith.constant 0 : i32
      %cond3A_216 = arith.cmpi ne, %convert_element_type3A_214, %cond3A_215 : i32
      scf.if %cond3A_216 {
        %add3A_447 = arith.constant 5 : i32
        %add3A_448 = arith.addi %add3A_183, %add3A_447 : i32
        %sub3A_449 = arith.constant 1 : i32
        %sub3A_450 = arith.subi %add3A_448, %sub3A_449 : i32
        %dma_start3A_451 = arith.constant 4 : i32
        %dma_start3A_452 = arith.constant 0 : i32
        %dma_start3A_453 = arith.constant 0 : i32
        %dma_start3A_454 = tpu.memref_slice %arg7[%dma_start3A_451, %dma_start3A_452, %dma_start3A_453] : memref<5x128x32xf32, #tpu.memory_space<vmem>> -> memref<1x128x32xf32, #tpu.memory_space<vmem>>
        %dma_start3A_455 = tpu.memref_squeeze %dma_start3A_454 : memref<1x128x32xf32, #tpu.memory_space<vmem>> -> memref<128x32xf32, #tpu.memory_space<vmem>>
        %dma_start3A_456 = arith.constant 0 : i32
        %dma_start3A_457 = tpu.memref_slice %arg6[%sub3A_450, %dma_start3A_456] : memref<50x128xi32, #tpu.memory_space<vmem>> -> memref<1x128xi32, #tpu.memory_space<vmem>>
        %dma_start3A_458 = tpu.memref_squeeze %dma_start3A_457 : memref<1x128xi32, #tpu.memory_space<vmem>> -> memref<128xi32, #tpu.memory_space<vmem>>
        %dma_start3A_459 = arith.constant 0 : i32
        %dma_start3A_460 = arith.constant 0 : i32
        %dma_start3A_461 = tpu.memref_slice %arg3[%dma_start3A_459, %dma_start3A_460] : memref<1000000x32xf32, #tpu.memory_space<hbm>> -> memref<1000000x32xf32, #tpu.memory_space<hbm>>
        tpu.enqueue_indirect_dma source(%dma_start3A_461 : memref<1000000x32xf32, #tpu.memory_space<hbm>>) target(%dma_start3A_455 : memref<128x32xf32, #tpu.memory_space<vmem>>) offsets(%dma_start3A_458 : memref<128xi32, #tpu.memory_space<vmem>>) semaphore(%arg10 : memref<!tpu.dma_semaphore, #tpu.memory_space<semaphore_mem>>)
        %dma_start3A_462 = arith.constant 4 : i32
        %dma_start3A_463 = arith.constant 0 : i32
        %dma_start3A_464 = arith.constant 0 : i32
        %dma_start3A_465 = tpu.memref_slice %arg8[%dma_start3A_462, %dma_start3A_463, %dma_start3A_464] : memref<5x128x32xf32, #tpu.memory_space<vmem>> -> memref<1x128x32xf32, #tpu.memory_space<vmem>>
        %dma_start3A_466 = tpu.memref_squeeze %dma_start3A_465 : memref<1x128x32xf32, #tpu.memory_space<vmem>> -> memref<128x32xf32, #tpu.memory_space<vmem>>
        %dma_start3A_467 = arith.constant 0 : i32
        %dma_start3A_468 = tpu.memref_slice %arg6[%sub3A_450, %dma_start3A_467] : memref<50x128xi32, #tpu.memory_space<vmem>> -> memref<1x128xi32, #tpu.memory_space<vmem>>
        %dma_start3A_469 = tpu.memref_squeeze %dma_start3A_468 : memref<1x128xi32, #tpu.memory_space<vmem>> -> memref<128xi32, #tpu.memory_space<vmem>>
        %dma_start3A_470 = arith.constant 0 : i32
        %dma_start3A_471 = arith.constant 0 : i32
        %dma_start3A_472 = tpu.memref_slice %arg4[%dma_start3A_470, %dma_start3A_471] : memref<1000000x32xf32, #tpu.memory_space<hbm>> -> memref<1000000x32xf32, #tpu.memory_space<hbm>>
        tpu.enqueue_indirect_dma source(%dma_start3A_472 : memref<1000000x32xf32, #tpu.memory_space<hbm>>) target(%dma_start3A_466 : memref<128x32xf32, #tpu.memory_space<vmem>>) offsets(%dma_start3A_469 : memref<128xi32, #tpu.memory_space<vmem>>) semaphore(%arg11 : memref<!tpu.dma_semaphore, #tpu.memory_space<semaphore_mem>>)
      } else {
      }
      %mul3A_217 = arith.constant 8192 : i32
      %mul3A_218 = arith.muli %add3A_183, %mul3A_217 : i32
      %dma_start3A_219 = arith.constant 0 : i32
      %dma_start3A_220 = arith.constant 0 : i32
      %dma_start3A_221 = tpu.memref_slice %arg9[%dma_start3A_219, %dma_start3A_220] : memref<5x8192xf32, #tpu.memory_space<vmem>> -> memref<1x8192xf32, #tpu.memory_space<vmem>>
      %dma_start3A_222 = tpu.memref_squeeze %dma_start3A_221 : memref<1x8192xf32, #tpu.memory_space<vmem>> -> memref<8192xf32, #tpu.memory_space<vmem>>
      %dma_start3A_223 = tpu.memref_slice %arg5[%add3A, %mul3A_218] : memref<32x409600xf32, #tpu.memory_space<hbm>> -> memref<1x8192xf32, #tpu.memory_space<hbm>>
      %dma_start3A_224 = tpu.memref_squeeze %dma_start3A_223 : memref<1x8192xf32, #tpu.memory_space<hbm>> -> memref<8192xf32, #tpu.memory_space<hbm>>
      %dma_start3A_225 = tpu.memref_slice %arg5[%add3A, %mul3A_218] : memref<32x409600xf32, #tpu.memory_space<hbm>> -> memref<1x8192xf32, #tpu.memory_space<hbm>>
      %dma_start3A_226 = tpu.memref_squeeze %dma_start3A_225 : memref<1x8192xf32, #tpu.memory_space<hbm>> -> memref<8192xf32, #tpu.memory_space<hbm>>
      %dma_start3A_227 = arith.constant 0 : i32
      %dma_start3A_228 = tpu.memref_slice %arg9[%dma_start3A_219, %dma_start3A_227] : memref<5x8192xf32, #tpu.memory_space<vmem>> -> memref<1x8192xf32, #tpu.memory_space<vmem>>
      %dma_start3A_229 = tpu.memref_squeeze %dma_start3A_228 : memref<1x8192xf32, #tpu.memory_space<vmem>> -> memref<8192xf32, #tpu.memory_space<vmem>>
      tpu.enqueue_dma source(%dma_start3A_229 : memref<8192xf32, #tpu.memory_space<vmem>>) target(%dma_start3A_226 : memref<8192xf32, #tpu.memory_space<hbm>>) target_semaphore(%arg12 : memref<!tpu.dma_semaphore, #tpu.memory_space<semaphore_mem>>)
      %add3A_230 = arith.constant 1 : i32
      %add3A_231 = arith.addi %mul3A_181, %add3A_230 : i32
      %dma_wait3A_232 = arith.constant 1 : i32
      %dma_wait3A_233 = arith.constant 0 : i32
      %dma_wait3A_234 = arith.constant 0 : i32
      %dma_wait3A_235 = tpu.memref_slice %arg7[%dma_wait3A_232, %dma_wait3A_233, %dma_wait3A_234] : memref<5x128x32xf32, #tpu.memory_space<vmem>> -> memref<1x128x32xf32, #tpu.memory_space<vmem>>
      %dma_wait3A_236 = tpu.memref_squeeze %dma_wait3A_235 : memref<1x128x32xf32, #tpu.memory_space<vmem>> -> memref<128x32xf32, #tpu.memory_space<vmem>>
      %dma_wait3A_237 = arith.constant 0 : i32
      %dma_wait3A_238 = tpu.memref_slice %arg6[%add3A_231, %dma_wait3A_237] : memref<50x128xi32, #tpu.memory_space<vmem>> -> memref<1x128xi32, #tpu.memory_space<vmem>>
      %dma_wait3A_239 = tpu.memref_squeeze %dma_wait3A_238 : memref<1x128xi32, #tpu.memory_space<vmem>> -> memref<128xi32, #tpu.memory_space<vmem>>
      %dma_wait3A_240 = arith.constant 0 : i32
      %dma_wait3A_241 = arith.constant 0 : i32
      %dma_wait3A_242 = tpu.memref_slice %arg3[%dma_wait3A_240, %dma_wait3A_241] : memref<1000000x32xf32, #tpu.memory_space<hbm>> -> memref<1000000x32xf32, #tpu.memory_space<hbm>>
      tpu.wait_indirect_dma semaphore(%arg10 : memref<!tpu.dma_semaphore, #tpu.memory_space<semaphore_mem>>) src(%dma_wait3A_242 : memref<1000000x32xf32, #tpu.memory_space<hbm>>) dst(%dma_wait3A_236 : memref<128x32xf32, #tpu.memory_space<vmem>>)
      %dma_wait3A_243 = arith.constant 1 : i32
      %dma_wait3A_244 = arith.constant 0 : i32
      %dma_wait3A_245 = arith.constant 0 : i32
      %dma_wait3A_246 = tpu.memref_slice %arg8[%dma_wait3A_243, %dma_wait3A_244, %dma_wait3A_245] : memref<5x128x32xf32, #tpu.memory_space<vmem>> -> memref<1x128x32xf32, #tpu.memory_space<vmem>>
      %dma_wait3A_247 = tpu.memref_squeeze %dma_wait3A_246 : memref<1x128x32xf32, #tpu.memory_space<vmem>> -> memref<128x32xf32, #tpu.memory_space<vmem>>
      %dma_wait3A_248 = arith.constant 0 : i32
      %dma_wait3A_249 = tpu.memref_slice %arg6[%add3A_231, %dma_wait3A_248] : memref<50x128xi32, #tpu.memory_space<vmem>> -> memref<1x128xi32, #tpu.memory_space<vmem>>
      %dma_wait3A_250 = tpu.memref_squeeze %dma_wait3A_249 : memref<1x128xi32, #tpu.memory_space<vmem>> -> memref<128xi32, #tpu.memory_space<vmem>>
      %dma_wait3A_251 = arith.constant 0 : i32
      %dma_wait3A_252 = arith.constant 0 : i32
      %dma_wait3A_253 = tpu.memref_slice %arg4[%dma_wait3A_251, %dma_wait3A_252] : memref<1000000x32xf32, #tpu.memory_space<hbm>> -> memref<1000000x32xf32, #tpu.memory_space<hbm>>
      tpu.wait_indirect_dma semaphore(%arg11 : memref<!tpu.dma_semaphore, #tpu.memory_space<semaphore_mem>>) src(%dma_wait3A_253 : memref<1000000x32xf32, #tpu.memory_space<hbm>>) dst(%dma_wait3A_247 : memref<128x32xf32, #tpu.memory_space<vmem>>)
      %ge3A_254 = arith.constant 5 : i32
      %ge3A_255 = arith.cmpi sge, %add3A_231, %ge3A_254 : i32
      %convert_element_type3A_256 = arith.extui %ge3A_255 : i1 to i32
      %cond3A_257 = arith.constant 0 : i32
      %cond3A_258 = arith.cmpi ne, %convert_element_type3A_256, %cond3A_257 : i32
      scf.if %cond3A_258 {
        %sub3A_447 = arith.constant 5 : i32
        %sub3A_448 = arith.subi %add3A_231, %sub3A_447 : i32
        %mul3A_449 = arith.constant 8192 : i32
        %mul3A_450 = arith.muli %sub3A_448, %mul3A_449 : i32
        %dma_wait3A_451 = arith.constant 1 : i32
        %dma_wait3A_452 = arith.constant 0 : i32
        %dma_wait3A_453 = tpu.memref_slice %arg9[%dma_wait3A_451, %dma_wait3A_452] : memref<5x8192xf32, #tpu.memory_space<vmem>> -> memref<1x8192xf32, #tpu.memory_space<vmem>>
        %dma_wait3A_454 = tpu.memref_squeeze %dma_wait3A_453 : memref<1x8192xf32, #tpu.memory_space<vmem>> -> memref<8192xf32, #tpu.memory_space<vmem>>
        %dma_wait3A_455 = tpu.memref_slice %arg5[%add3A, %mul3A_450] : memref<32x409600xf32, #tpu.memory_space<hbm>> -> memref<1x8192xf32, #tpu.memory_space<hbm>>
        %dma_wait3A_456 = tpu.memref_squeeze %dma_wait3A_455 : memref<1x8192xf32, #tpu.memory_space<hbm>> -> memref<8192xf32, #tpu.memory_space<hbm>>
        %dma_wait3A_457 = tpu.memref_slice %arg5[%add3A, %mul3A_450] : memref<32x409600xf32, #tpu.memory_space<hbm>> -> memref<1x8192xf32, #tpu.memory_space<hbm>>
        %dma_wait3A_458 = tpu.memref_squeeze %dma_wait3A_457 : memref<1x8192xf32, #tpu.memory_space<hbm>> -> memref<8192xf32, #tpu.memory_space<hbm>>
        %dma_wait3A_459 = arith.constant 0 : i32
        %dma_wait3A_460 = tpu.memref_slice %arg9[%dma_wait3A_451, %dma_wait3A_459] : memref<5x8192xf32, #tpu.memory_space<vmem>> -> memref<1x8192xf32, #tpu.memory_space<vmem>>
        %dma_wait3A_461 = tpu.memref_squeeze %dma_wait3A_460 : memref<1x8192xf32, #tpu.memory_space<vmem>> -> memref<8192xf32, #tpu.memory_space<vmem>>
        tpu.wait_dma2 semaphore(%arg12 : memref<!tpu.dma_semaphore, #tpu.memory_space<semaphore_mem>>) src(%dma_wait3A_461 : memref<8192xf32, #tpu.memory_space<vmem>>) dst(%dma_wait3A_458 : memref<8192xf32, #tpu.memory_space<hbm>>)
      } else {
      }
      %parallel_loop3A_259 = arith.constant 0 : i32
      %parallel_loop3A_260 = arith.constant 128 : i32
      %parallel_loop3A_261 = arith.constant 1 : i32
      scf.for %parallel_loop3A_447 = %parallel_loop3A_259 to %parallel_loop3A_260 step %parallel_loop3A_261  : i32 {
        %parallel_loop3A_448 = arith.constant 64 : i32
        %parallel_loop3A_449 = arith.muli %parallel_loop3A_447, %parallel_loop3A_448 : i32
        %parallel_loop3A_450 = vector.broadcast %parallel_loop3A_449 : i32 to vector<16xi32>
        %parallel_loop3A_451 = arith.addi %parallel_loop3A_450, %mul3A_3 : vector<16xi32>
        %parallel_loop3A_452 = arith.constant 1 : i32
        %parallel_loop3A_453 = arith.index_cast %parallel_loop3A_452 : i32 to index
        %parallel_loop3A_454 = arith.index_cast %parallel_loop3A_447 : i32 to index
        %parallel_loop3A_455 = arith.constant 0 : index
        %parallel_loop3A_456 = tpu.vector_load %arg7[%parallel_loop3A_453, %parallel_loop3A_454, %parallel_loop3A_455] {strides = array<i32>} : memref<5x128x32xf32, #tpu.memory_space<vmem>>, vector<16xf32>,
        %parallel_loop3A_457 = arith.constant 1 : i32
        %parallel_loop3A_458 = arith.constant 0 : i32
        %parallel_loop3A_459 = tpu.memref_slice %arg9[%parallel_loop3A_457, %parallel_loop3A_458] : memref<5x8192xf32, #tpu.memory_space<vmem>> -> memref<1x8192xf32, #tpu.memory_space<vmem>>
        %parallel_loop3A_460 = tpu.memref_squeeze %parallel_loop3A_459 : memref<1x8192xf32, #tpu.memory_space<vmem>> -> memref<8192xf32, #tpu.memory_space<vmem>>
        tpu.vector_store_idx %parallel_loop3A_460[%parallel_loop3A_451], %parallel_loop3A_456 : memref<8192xf32, #tpu.memory_space<vmem>>[vector<16xi32>], vector<16xf32>,
        %parallel_loop3A_461 = vector.broadcast %parallel_loop3A_449 : i32 to vector<16xi32>
        %parallel_loop3A_462 = arith.addi %parallel_loop3A_461, %add3A_6 : vector<16xi32>
        %parallel_loop3A_463 = arith.constant 1 : i32
        %parallel_loop3A_464 = arith.index_cast %parallel_loop3A_463 : i32 to index
        %parallel_loop3A_465 = arith.index_cast %parallel_loop3A_447 : i32 to index
        %parallel_loop3A_466 = arith.constant 0 : index
        %parallel_loop3A_467 = tpu.vector_load %arg8[%parallel_loop3A_464, %parallel_loop3A_465, %parallel_loop3A_466] {strides = array<i32>} : memref<5x128x32xf32, #tpu.memory_space<vmem>>, vector<16xf32>,
        %parallel_loop3A_468 = arith.constant 1 : i32
        %parallel_loop3A_469 = arith.constant 0 : i32
        %parallel_loop3A_470 = tpu.memref_slice %arg9[%parallel_loop3A_468, %parallel_loop3A_469] : memref<5x8192xf32, #tpu.memory_space<vmem>> -> memref<1x8192xf32, #tpu.memory_space<vmem>>
        %parallel_loop3A_471 = tpu.memref_squeeze %parallel_loop3A_470 : memref<1x8192xf32, #tpu.memory_space<vmem>> -> memref<8192xf32, #tpu.memory_space<vmem>>
        tpu.vector_store_idx %parallel_loop3A_471[%parallel_loop3A_462], %parallel_loop3A_467 : memref<8192xf32, #tpu.memory_space<vmem>>[vector<16xi32>], vector<16xf32>,
        %parallel_loop3A_472 = vector.broadcast %parallel_loop3A_449 : i32 to vector<16xi32>
        %parallel_loop3A_473 = arith.addi %parallel_loop3A_472, %add3A_9 : vector<16xi32>
        %parallel_loop3A_474 = arith.constant 1 : i32
        %parallel_loop3A_475 = arith.index_cast %parallel_loop3A_474 : i32 to index
        %parallel_loop3A_476 = arith.index_cast %parallel_loop3A_447 : i32 to index
        %parallel_loop3A_477 = arith.constant 16 : index
        %parallel_loop3A_478 = tpu.vector_load %arg7[%parallel_loop3A_475, %parallel_loop3A_476, %parallel_loop3A_477] {strides = array<i32>} : memref<5x128x32xf32, #tpu.memory_space<vmem>>, vector<16xf32>,
        %parallel_loop3A_479 = arith.constant 1 : i32
        %parallel_loop3A_480 = arith.constant 0 : i32
        %parallel_loop3A_481 = tpu.memref_slice %arg9[%parallel_loop3A_479, %parallel_loop3A_480] : memref<5x8192xf32, #tpu.memory_space<vmem>> -> memref<1x8192xf32, #tpu.memory_space<vmem>>
        %parallel_loop3A_482 = tpu.memref_squeeze %parallel_loop3A_481 : memref<1x8192xf32, #tpu.memory_space<vmem>> -> memref<8192xf32, #tpu.memory_space<vmem>>
        tpu.vector_store_idx %parallel_loop3A_482[%parallel_loop3A_473], %parallel_loop3A_478 : memref<8192xf32, #tpu.memory_space<vmem>>[vector<16xi32>], vector<16xf32>,
        %parallel_loop3A_483 = vector.broadcast %parallel_loop3A_449 : i32 to vector<16xi32>
        %parallel_loop3A_484 = arith.addi %parallel_loop3A_483, %add3A_12 : vector<16xi32>
        %parallel_loop3A_485 = arith.constant 1 : i32
        %parallel_loop3A_486 = arith.index_cast %parallel_loop3A_485 : i32 to index
        %parallel_loop3A_487 = arith.index_cast %parallel_loop3A_447 : i32 to index
        %parallel_loop3A_488 = arith.constant 16 : index
        %parallel_loop3A_489 = tpu.vector_load %arg8[%parallel_loop3A_486, %parallel_loop3A_487, %parallel_loop3A_488] {strides = array<i32>} : memref<5x128x32xf32, #tpu.memory_space<vmem>>, vector<16xf32>,
        %parallel_loop3A_490 = arith.constant 1 : i32
        %parallel_loop3A_491 = arith.constant 0 : i32
        %parallel_loop3A_492 = tpu.memref_slice %arg9[%parallel_loop3A_490, %parallel_loop3A_491] : memref<5x8192xf32, #tpu.memory_space<vmem>> -> memref<1x8192xf32, #tpu.memory_space<vmem>>
        %parallel_loop3A_493 = tpu.memref_squeeze %parallel_loop3A_492 : memref<1x8192xf32, #tpu.memory_space<vmem>> -> memref<8192xf32, #tpu.memory_space<vmem>>
        tpu.vector_store_idx %parallel_loop3A_493[%parallel_loop3A_484], %parallel_loop3A_489 : memref<8192xf32, #tpu.memory_space<vmem>>[vector<16xi32>], vector<16xf32>,
      } {sc.loop_unroll_factor = 8 : i64, sc.parallel_access}
      %add3A_262 = arith.constant 5 : i32
      %add3A_263 = arith.addi %add3A_231, %add3A_262 : i32
      %sub3A_264 = arith.constant 1 : i32
      %sub3A_265 = arith.subi %add3A_263, %sub3A_264 : i32
      %lt3A_266 = arith.constant 50 : i32
      %lt3A_267 = arith.cmpi slt, %sub3A_265, %lt3A_266 : i32
      %convert_element_type3A_268 = arith.extui %lt3A_267 : i1 to i32
      %cond3A_269 = arith.constant 0 : i32
      %cond3A_270 = arith.cmpi ne, %convert_element_type3A_268, %cond3A_269 : i32
      scf.if %cond3A_270 {
        %add3A_447 = arith.constant 5 : i32
        %add3A_448 = arith.addi %add3A_231, %add3A_447 : i32
        %sub3A_449 = arith.constant 1 : i32
        %sub3A_450 = arith.subi %add3A_448, %sub3A_449 : i32
        %dma_start3A_451 = arith.constant 0 : i32
        %dma_start3A_452 = arith.constant 0 : i32
        %dma_start3A_453 = arith.constant 0 : i32
        %dma_start3A_454 = tpu.memref_slice %arg7[%dma_start3A_451, %dma_start3A_452, %dma_start3A_453] : memref<5x128x32xf32, #tpu.memory_space<vmem>> -> memref<1x128x32xf32, #tpu.memory_space<vmem>>
        %dma_start3A_455 = tpu.memref_squeeze %dma_start3A_454 : memref<1x128x32xf32, #tpu.memory_space<vmem>> -> memref<128x32xf32, #tpu.memory_space<vmem>>
        %dma_start3A_456 = arith.constant 0 : i32
        %dma_start3A_457 = tpu.memref_slice %arg6[%sub3A_450, %dma_start3A_456] : memref<50x128xi32, #tpu.memory_space<vmem>> -> memref<1x128xi32, #tpu.memory_space<vmem>>
        %dma_start3A_458 = tpu.memref_squeeze %dma_start3A_457 : memref<1x128xi32, #tpu.memory_space<vmem>> -> memref<128xi32, #tpu.memory_space<vmem>>
        %dma_start3A_459 = arith.constant 0 : i32
        %dma_start3A_460 = arith.constant 0 : i32
        %dma_start3A_461 = tpu.memref_slice %arg3[%dma_start3A_459, %dma_start3A_460] : memref<1000000x32xf32, #tpu.memory_space<hbm>> -> memref<1000000x32xf32, #tpu.memory_space<hbm>>
        tpu.enqueue_indirect_dma source(%dma_start3A_461 : memref<1000000x32xf32, #tpu.memory_space<hbm>>) target(%dma_start3A_455 : memref<128x32xf32, #tpu.memory_space<vmem>>) offsets(%dma_start3A_458 : memref<128xi32, #tpu.memory_space<vmem>>) semaphore(%arg10 : memref<!tpu.dma_semaphore, #tpu.memory_space<semaphore_mem>>)
        %dma_start3A_462 = arith.constant 0 : i32
        %dma_start3A_463 = arith.constant 0 : i32
        %dma_start3A_464 = arith.constant 0 : i32
        %dma_start3A_465 = tpu.memref_slice %arg8[%dma_start3A_462, %dma_start3A_463, %dma_start3A_464] : memref<5x128x32xf32, #tpu.memory_space<vmem>> -> memref<1x128x32xf32, #tpu.memory_space<vmem>>
        %dma_start3A_466 = tpu.memref_squeeze %dma_start3A_465 : memref<1x128x32xf32, #tpu.memory_space<vmem>> -> memref<128x32xf32, #tpu.memory_space<vmem>>
        %dma_start3A_467 = arith.constant 0 : i32
        %dma_start3A_468 = tpu.memref_slice %arg6[%sub3A_450, %dma_start3A_467] : memref<50x128xi32, #tpu.memory_space<vmem>> -> memref<1x128xi32, #tpu.memory_space<vmem>>
        %dma_start3A_469 = tpu.memref_squeeze %dma_start3A_468 : memref<1x128xi32, #tpu.memory_space<vmem>> -> memref<128xi32, #tpu.memory_space<vmem>>
        %dma_start3A_470 = arith.constant 0 : i32
        %dma_start3A_471 = arith.constant 0 : i32
        %dma_start3A_472 = tpu.memref_slice %arg4[%dma_start3A_470, %dma_start3A_471] : memref<1000000x32xf32, #tpu.memory_space<hbm>> -> memref<1000000x32xf32, #tpu.memory_space<hbm>>
        tpu.enqueue_indirect_dma source(%dma_start3A_472 : memref<1000000x32xf32, #tpu.memory_space<hbm>>) target(%dma_start3A_466 : memref<128x32xf32, #tpu.memory_space<vmem>>) offsets(%dma_start3A_469 : memref<128xi32, #tpu.memory_space<vmem>>) semaphore(%arg11 : memref<!tpu.dma_semaphore, #tpu.memory_space<semaphore_mem>>)
      } else {
      }
      %mul3A_271 = arith.constant 8192 : i32
      %mul3A_272 = arith.muli %add3A_231, %mul3A_271 : i32
      %dma_start3A_273 = arith.constant 1 : i32
      %dma_start3A_274 = arith.constant 0 : i32
      %dma_start3A_275 = tpu.memref_slice %arg9[%dma_start3A_273, %dma_start3A_274] : memref<5x8192xf32, #tpu.memory_space<vmem>> -> memref<1x8192xf32, #tpu.memory_space<vmem>>
      %dma_start3A_276 = tpu.memref_squeeze %dma_start3A_275 : memref<1x8192xf32, #tpu.memory_space<vmem>> -> memref<8192xf32, #tpu.memory_space<vmem>>
      %dma_start3A_277 = tpu.memref_slice %arg5[%add3A, %mul3A_272] : memref<32x409600xf32, #tpu.memory_space<hbm>> -> memref<1x8192xf32, #tpu.memory_space<hbm>>
      %dma_start3A_278 = tpu.memref_squeeze %dma_start3A_277 : memref<1x8192xf32, #tpu.memory_space<hbm>> -> memref<8192xf32, #tpu.memory_space<hbm>>
      %dma_start3A_279 = tpu.memref_slice %arg5[%add3A, %mul3A_272] : memref<32x409600xf32, #tpu.memory_space<hbm>> -> memref<1x8192xf32, #tpu.memory_space<hbm>>
      %dma_start3A_280 = tpu.memref_squeeze %dma_start3A_279 : memref<1x8192xf32, #tpu.memory_space<hbm>> -> memref<8192xf32, #tpu.memory_space<hbm>>
      %dma_start3A_281 = arith.constant 0 : i32
      %dma_start3A_282 = tpu.memref_slice %arg9[%dma_start3A_273, %dma_start3A_281] : memref<5x8192xf32, #tpu.memory_space<vmem>> -> memref<1x8192xf32, #tpu.memory_space<vmem>>
      %dma_start3A_283 = tpu.memref_squeeze %dma_start3A_282 : memref<1x8192xf32, #tpu.memory_space<vmem>> -> memref<8192xf32, #tpu.memory_space<vmem>>
      tpu.enqueue_dma source(%dma_start3A_283 : memref<8192xf32, #tpu.memory_space<vmem>>) target(%dma_start3A_280 : memref<8192xf32, #tpu.memory_space<hbm>>) target_semaphore(%arg12 : memref<!tpu.dma_semaphore, #tpu.memory_space<semaphore_mem>>)
      %add3A_284 = arith.constant 2 : i32
      %add3A_285 = arith.addi %mul3A_181, %add3A_284 : i32
      %dma_wait3A_286 = arith.constant 2 : i32
      %dma_wait3A_287 = arith.constant 0 : i32
      %dma_wait3A_288 = arith.constant 0 : i32
      %dma_wait3A_289 = tpu.memref_slice %arg7[%dma_wait3A_286, %dma_wait3A_287, %dma_wait3A_288] : memref<5x128x32xf32, #tpu.memory_space<vmem>> -> memref<1x128x32xf32, #tpu.memory_space<vmem>>
      %dma_wait3A_290 = tpu.memref_squeeze %dma_wait3A_289 : memref<1x128x32xf32, #tpu.memory_space<vmem>> -> memref<128x32xf32, #tpu.memory_space<vmem>>
      %dma_wait3A_291 = arith.constant 0 : i32
      %dma_wait3A_292 = tpu.memref_slice %arg6[%add3A_285, %dma_wait3A_291] : memref<50x128xi32, #tpu.memory_space<vmem>> -> memref<1x128xi32, #tpu.memory_space<vmem>>
      %dma_wait3A_293 = tpu.memref_squeeze %dma_wait3A_292 : memref<1x128xi32, #tpu.memory_space<vmem>> -> memref<128xi32, #tpu.memory_space<vmem>>
      %dma_wait3A_294 = arith.constant 0 : i32
      %dma_wait3A_295 = arith.constant 0 : i32
      %dma_wait3A_296 = tpu.memref_slice %arg3[%dma_wait3A_294, %dma_wait3A_295] : memref<1000000x32xf32, #tpu.memory_space<hbm>> -> memref<1000000x32xf32, #tpu.memory_space<hbm>>
      tpu.wait_indirect_dma semaphore(%arg10 : memref<!tpu.dma_semaphore, #tpu.memory_space<semaphore_mem>>) src(%dma_wait3A_296 : memref<1000000x32xf32, #tpu.memory_space<hbm>>) dst(%dma_wait3A_290 : memref<128x32xf32, #tpu.memory_space<vmem>>)
      %dma_wait3A_297 = arith.constant 2 : i32
      %dma_wait3A_298 = arith.constant 0 : i32
      %dma_wait3A_299 = arith.constant 0 : i32
      %dma_wait3A_300 = tpu.memref_slice %arg8[%dma_wait3A_297, %dma_wait3A_298, %dma_wait3A_299] : memref<5x128x32xf32, #tpu.memory_space<vmem>> -> memref<1x128x32xf32, #tpu.memory_space<vmem>>
      %dma_wait3A_301 = tpu.memref_squeeze %dma_wait3A_300 : memref<1x128x32xf32, #tpu.memory_space<vmem>> -> memref<128x32xf32, #tpu.memory_space<vmem>>
      %dma_wait3A_302 = arith.constant 0 : i32
      %dma_wait3A_303 = tpu.memref_slice %arg6[%add3A_285, %dma_wait3A_302] : memref<50x128xi32, #tpu.memory_space<vmem>> -> memref<1x128xi32, #tpu.memory_space<vmem>>
      %dma_wait3A_304 = tpu.memref_squeeze %dma_wait3A_303 : memref<1x128xi32, #tpu.memory_space<vmem>> -> memref<128xi32, #tpu.memory_space<vmem>>
      %dma_wait3A_305 = arith.constant 0 : i32
      %dma_wait3A_306 = arith.constant 0 : i32
      %dma_wait3A_307 = tpu.memref_slice %arg4[%dma_wait3A_305, %dma_wait3A_306] : memref<1000000x32xf32, #tpu.memory_space<hbm>> -> memref<1000000x32xf32, #tpu.memory_space<hbm>>
      tpu.wait_indirect_dma semaphore(%arg11 : memref<!tpu.dma_semaphore, #tpu.memory_space<semaphore_mem>>) src(%dma_wait3A_307 : memref<1000000x32xf32, #tpu.memory_space<hbm>>) dst(%dma_wait3A_301 : memref<128x32xf32, #tpu.memory_space<vmem>>)
      %ge3A_308 = arith.constant 5 : i32
      %ge3A_309 = arith.cmpi sge, %add3A_285, %ge3A_308 : i32
      %convert_element_type3A_310 = arith.extui %ge3A_309 : i1 to i32
      %cond3A_311 = arith.constant 0 : i32
      %cond3A_312 = arith.cmpi ne, %convert_element_type3A_310, %cond3A_311 : i32
      scf.if %cond3A_312 {
        %sub3A_447 = arith.constant 5 : i32
        %sub3A_448 = arith.subi %add3A_285, %sub3A_447 : i32
        %mul3A_449 = arith.constant 8192 : i32
        %mul3A_450 = arith.muli %sub3A_448, %mul3A_449 : i32
        %dma_wait3A_451 = arith.constant 2 : i32
        %dma_wait3A_452 = arith.constant 0 : i32
        %dma_wait3A_453 = tpu.memref_slice %arg9[%dma_wait3A_451, %dma_wait3A_452] : memref<5x8192xf32, #tpu.memory_space<vmem>> -> memref<1x8192xf32, #tpu.memory_space<vmem>>
        %dma_wait3A_454 = tpu.memref_squeeze %dma_wait3A_453 : memref<1x8192xf32, #tpu.memory_space<vmem>> -> memref<8192xf32, #tpu.memory_space<vmem>>
        %dma_wait3A_455 = tpu.memref_slice %arg5[%add3A, %mul3A_450] : memref<32x409600xf32, #tpu.memory_space<hbm>> -> memref<1x8192xf32, #tpu.memory_space<hbm>>
        %dma_wait3A_456 = tpu.memref_squeeze %dma_wait3A_455 : memref<1x8192xf32, #tpu.memory_space<hbm>> -> memref<8192xf32, #tpu.memory_space<hbm>>
        %dma_wait3A_457 = tpu.memref_slice %arg5[%add3A, %mul3A_450] : memref<32x409600xf32, #tpu.memory_space<hbm>> -> memref<1x8192xf32, #tpu.memory_space<hbm>>
        %dma_wait3A_458 = tpu.memref_squeeze %dma_wait3A_457 : memref<1x8192xf32, #tpu.memory_space<hbm>> -> memref<8192xf32, #tpu.memory_space<hbm>>
        %dma_wait3A_459 = arith.constant 0 : i32
        %dma_wait3A_460 = tpu.memref_slice %arg9[%dma_wait3A_451, %dma_wait3A_459] : memref<5x8192xf32, #tpu.memory_space<vmem>> -> memref<1x8192xf32, #tpu.memory_space<vmem>>
        %dma_wait3A_461 = tpu.memref_squeeze %dma_wait3A_460 : memref<1x8192xf32, #tpu.memory_space<vmem>> -> memref<8192xf32, #tpu.memory_space<vmem>>
        tpu.wait_dma2 semaphore(%arg12 : memref<!tpu.dma_semaphore, #tpu.memory_space<semaphore_mem>>) src(%dma_wait3A_461 : memref<8192xf32, #tpu.memory_space<vmem>>) dst(%dma_wait3A_458 : memref<8192xf32, #tpu.memory_space<hbm>>)
      } else {
      }
      %parallel_loop3A_313 = arith.constant 0 : i32
      %parallel_loop3A_314 = arith.constant 128 : i32
      %parallel_loop3A_315 = arith.constant 1 : i32
      scf.for %parallel_loop3A_447 = %parallel_loop3A_313 to %parallel_loop3A_314 step %parallel_loop3A_315  : i32 {
        %parallel_loop3A_448 = arith.constant 64 : i32
        %parallel_loop3A_449 = arith.muli %parallel_loop3A_447, %parallel_loop3A_448 : i32
        %parallel_loop3A_450 = vector.broadcast %parallel_loop3A_449 : i32 to vector<16xi32>
        %parallel_loop3A_451 = arith.addi %parallel_loop3A_450, %mul3A_3 : vector<16xi32>
        %parallel_loop3A_452 = arith.constant 2 : i32
        %parallel_loop3A_453 = arith.index_cast %parallel_loop3A_452 : i32 to index
        %parallel_loop3A_454 = arith.index_cast %parallel_loop3A_447 : i32 to index
        %parallel_loop3A_455 = arith.constant 0 : index
        %parallel_loop3A_456 = tpu.vector_load %arg7[%parallel_loop3A_453, %parallel_loop3A_454, %parallel_loop3A_455] {strides = array<i32>} : memref<5x128x32xf32, #tpu.memory_space<vmem>>, vector<16xf32>,
        %parallel_loop3A_457 = arith.constant 2 : i32
        %parallel_loop3A_458 = arith.constant 0 : i32
        %parallel_loop3A_459 = tpu.memref_slice %arg9[%parallel_loop3A_457, %parallel_loop3A_458] : memref<5x8192xf32, #tpu.memory_space<vmem>> -> memref<1x8192xf32, #tpu.memory_space<vmem>>
        %parallel_loop3A_460 = tpu.memref_squeeze %parallel_loop3A_459 : memref<1x8192xf32, #tpu.memory_space<vmem>> -> memref<8192xf32, #tpu.memory_space<vmem>>
        tpu.vector_store_idx %parallel_loop3A_460[%parallel_loop3A_451], %parallel_loop3A_456 : memref<8192xf32, #tpu.memory_space<vmem>>[vector<16xi32>], vector<16xf32>,
        %parallel_loop3A_461 = vector.broadcast %parallel_loop3A_449 : i32 to vector<16xi32>
        %parallel_loop3A_462 = arith.addi %parallel_loop3A_461, %add3A_6 : vector<16xi32>
        %parallel_loop3A_463 = arith.constant 2 : i32
        %parallel_loop3A_464 = arith.index_cast %parallel_loop3A_463 : i32 to index
        %parallel_loop3A_465 = arith.index_cast %parallel_loop3A_447 : i32 to index
        %parallel_loop3A_466 = arith.constant 0 : index
        %parallel_loop3A_467 = tpu.vector_load %arg8[%parallel_loop3A_464, %parallel_loop3A_465, %parallel_loop3A_466] {strides = array<i32>} : memref<5x128x32xf32, #tpu.memory_space<vmem>>, vector<16xf32>,
        %parallel_loop3A_468 = arith.constant 2 : i32
        %parallel_loop3A_469 = arith.constant 0 : i32
        %parallel_loop3A_470 = tpu.memref_slice %arg9[%parallel_loop3A_468, %parallel_loop3A_469] : memref<5x8192xf32, #tpu.memory_space<vmem>> -> memref<1x8192xf32, #tpu.memory_space<vmem>>
        %parallel_loop3A_471 = tpu.memref_squeeze %parallel_loop3A_470 : memref<1x8192xf32, #tpu.memory_space<vmem>> -> memref<8192xf32, #tpu.memory_space<vmem>>
        tpu.vector_store_idx %parallel_loop3A_471[%parallel_loop3A_462], %parallel_loop3A_467 : memref<8192xf32, #tpu.memory_space<vmem>>[vector<16xi32>], vector<16xf32>,
        %parallel_loop3A_472 = vector.broadcast %parallel_loop3A_449 : i32 to vector<16xi32>
        %parallel_loop3A_473 = arith.addi %parallel_loop3A_472, %add3A_9 : vector<16xi32>
        %parallel_loop3A_474 = arith.constant 2 : i32
        %parallel_loop3A_475 = arith.index_cast %parallel_loop3A_474 : i32 to index
        %parallel_loop3A_476 = arith.index_cast %parallel_loop3A_447 : i32 to index
        %parallel_loop3A_477 = arith.constant 16 : index
        %parallel_loop3A_478 = tpu.vector_load %arg7[%parallel_loop3A_475, %parallel_loop3A_476, %parallel_loop3A_477] {strides = array<i32>} : memref<5x128x32xf32, #tpu.memory_space<vmem>>, vector<16xf32>,
        %parallel_loop3A_479 = arith.constant 2 : i32
        %parallel_loop3A_480 = arith.constant 0 : i32
        %parallel_loop3A_481 = tpu.memref_slice %arg9[%parallel_loop3A_479, %parallel_loop3A_480] : memref<5x8192xf32, #tpu.memory_space<vmem>> -> memref<1x8192xf32, #tpu.memory_space<vmem>>
        %parallel_loop3A_482 = tpu.memref_squeeze %parallel_loop3A_481 : memref<1x8192xf32, #tpu.memory_space<vmem>> -> memref<8192xf32, #tpu.memory_space<vmem>>
        tpu.vector_store_idx %parallel_loop3A_482[%parallel_loop3A_473], %parallel_loop3A_478 : memref<8192xf32, #tpu.memory_space<vmem>>[vector<16xi32>], vector<16xf32>,
        %parallel_loop3A_483 = vector.broadcast %parallel_loop3A_449 : i32 to vector<16xi32>
        %parallel_loop3A_484 = arith.addi %parallel_loop3A_483, %add3A_12 : vector<16xi32>
        %parallel_loop3A_485 = arith.constant 2 : i32
        %parallel_loop3A_486 = arith.index_cast %parallel_loop3A_485 : i32 to index
        %parallel_loop3A_487 = arith.index_cast %parallel_loop3A_447 : i32 to index
        %parallel_loop3A_488 = arith.constant 16 : index
        %parallel_loop3A_489 = tpu.vector_load %arg8[%parallel_loop3A_486, %parallel_loop3A_487, %parallel_loop3A_488] {strides = array<i32>} : memref<5x128x32xf32, #tpu.memory_space<vmem>>, vector<16xf32>,
        %parallel_loop3A_490 = arith.constant 2 : i32
        %parallel_loop3A_491 = arith.constant 0 : i32
        %parallel_loop3A_492 = tpu.memref_slice %arg9[%parallel_loop3A_490, %parallel_loop3A_491] : memref<5x8192xf32, #tpu.memory_space<vmem>> -> memref<1x8192xf32, #tpu.memory_space<vmem>>
        %parallel_loop3A_493 = tpu.memref_squeeze %parallel_loop3A_492 : memref<1x8192xf32, #tpu.memory_space<vmem>> -> memref<8192xf32, #tpu.memory_space<vmem>>
        tpu.vector_store_idx %parallel_loop3A_493[%parallel_loop3A_484], %parallel_loop3A_489 : memref<8192xf32, #tpu.memory_space<vmem>>[vector<16xi32>], vector<16xf32>,
      } {sc.loop_unroll_factor = 8 : i64, sc.parallel_access}
      %add3A_316 = arith.constant 5 : i32
      %add3A_317 = arith.addi %add3A_285, %add3A_316 : i32
      %sub3A_318 = arith.constant 1 : i32
      %sub3A_319 = arith.subi %add3A_317, %sub3A_318 : i32
      %lt3A_320 = arith.constant 50 : i32
      %lt3A_321 = arith.cmpi slt, %sub3A_319, %lt3A_320 : i32
      %convert_element_type3A_322 = arith.extui %lt3A_321 : i1 to i32
      %cond3A_323 = arith.constant 0 : i32
      %cond3A_324 = arith.cmpi ne, %convert_element_type3A_322, %cond3A_323 : i32
      scf.if %cond3A_324 {
        %add3A_447 = arith.constant 5 : i32
        %add3A_448 = arith.addi %add3A_285, %add3A_447 : i32
        %sub3A_449 = arith.constant 1 : i32
        %sub3A_450 = arith.subi %add3A_448, %sub3A_449 : i32
        %dma_start3A_451 = arith.constant 1 : i32
        %dma_start3A_452 = arith.constant 0 : i32
        %dma_start3A_453 = arith.constant 0 : i32
        %dma_start3A_454 = tpu.memref_slice %arg7[%dma_start3A_451, %dma_start3A_452, %dma_start3A_453] : memref<5x128x32xf32, #tpu.memory_space<vmem>> -> memref<1x128x32xf32, #tpu.memory_space<vmem>>
        %dma_start3A_455 = tpu.memref_squeeze %dma_start3A_454 : memref<1x128x32xf32, #tpu.memory_space<vmem>> -> memref<128x32xf32, #tpu.memory_space<vmem>>
        %dma_start3A_456 = arith.constant 0 : i32
        %dma_start3A_457 = tpu.memref_slice %arg6[%sub3A_450, %dma_start3A_456] : memref<50x128xi32, #tpu.memory_space<vmem>> -> memref<1x128xi32, #tpu.memory_space<vmem>>
        %dma_start3A_458 = tpu.memref_squeeze %dma_start3A_457 : memref<1x128xi32, #tpu.memory_space<vmem>> -> memref<128xi32, #tpu.memory_space<vmem>>
        %dma_start3A_459 = arith.constant 0 : i32
        %dma_start3A_460 = arith.constant 0 : i32
        %dma_start3A_461 = tpu.memref_slice %arg3[%dma_start3A_459, %dma_start3A_460] : memref<1000000x32xf32, #tpu.memory_space<hbm>> -> memref<1000000x32xf32, #tpu.memory_space<hbm>>
        tpu.enqueue_indirect_dma source(%dma_start3A_461 : memref<1000000x32xf32, #tpu.memory_space<hbm>>) target(%dma_start3A_455 : memref<128x32xf32, #tpu.memory_space<vmem>>) offsets(%dma_start3A_458 : memref<128xi32, #tpu.memory_space<vmem>>) semaphore(%arg10 : memref<!tpu.dma_semaphore, #tpu.memory_space<semaphore_mem>>)
        %dma_start3A_462 = arith.constant 1 : i32
        %dma_start3A_463 = arith.constant 0 : i32
        %dma_start3A_464 = arith.constant 0 : i32
        %dma_start3A_465 = tpu.memref_slice %arg8[%dma_start3A_462, %dma_start3A_463, %dma_start3A_464] : memref<5x128x32xf32, #tpu.memory_space<vmem>> -> memref<1x128x32xf32, #tpu.memory_space<vmem>>
        %dma_start3A_466 = tpu.memref_squeeze %dma_start3A_465 : memref<1x128x32xf32, #tpu.memory_space<vmem>> -> memref<128x32xf32, #tpu.memory_space<vmem>>
        %dma_start3A_467 = arith.constant 0 : i32
        %dma_start3A_468 = tpu.memref_slice %arg6[%sub3A_450, %dma_start3A_467] : memref<50x128xi32, #tpu.memory_space<vmem>> -> memref<1x128xi32, #tpu.memory_space<vmem>>
        %dma_start3A_469 = tpu.memref_squeeze %dma_start3A_468 : memref<1x128xi32, #tpu.memory_space<vmem>> -> memref<128xi32, #tpu.memory_space<vmem>>
        %dma_start3A_470 = arith.constant 0 : i32
        %dma_start3A_471 = arith.constant 0 : i32
        %dma_start3A_472 = tpu.memref_slice %arg4[%dma_start3A_470, %dma_start3A_471] : memref<1000000x32xf32, #tpu.memory_space<hbm>> -> memref<1000000x32xf32, #tpu.memory_space<hbm>>
        tpu.enqueue_indirect_dma source(%dma_start3A_472 : memref<1000000x32xf32, #tpu.memory_space<hbm>>) target(%dma_start3A_466 : memref<128x32xf32, #tpu.memory_space<vmem>>) offsets(%dma_start3A_469 : memref<128xi32, #tpu.memory_space<vmem>>) semaphore(%arg11 : memref<!tpu.dma_semaphore, #tpu.memory_space<semaphore_mem>>)
      } else {
      }
      %mul3A_325 = arith.constant 8192 : i32
      %mul3A_326 = arith.muli %add3A_285, %mul3A_325 : i32
      %dma_start3A_327 = arith.constant 2 : i32
      %dma_start3A_328 = arith.constant 0 : i32
      %dma_start3A_329 = tpu.memref_slice %arg9[%dma_start3A_327, %dma_start3A_328] : memref<5x8192xf32, #tpu.memory_space<vmem>> -> memref<1x8192xf32, #tpu.memory_space<vmem>>
      %dma_start3A_330 = tpu.memref_squeeze %dma_start3A_329 : memref<1x8192xf32, #tpu.memory_space<vmem>> -> memref<8192xf32, #tpu.memory_space<vmem>>
      %dma_start3A_331 = tpu.memref_slice %arg5[%add3A, %mul3A_326] : memref<32x409600xf32, #tpu.memory_space<hbm>> -> memref<1x8192xf32, #tpu.memory_space<hbm>>
      %dma_start3A_332 = tpu.memref_squeeze %dma_start3A_331 : memref<1x8192xf32, #tpu.memory_space<hbm>> -> memref<8192xf32, #tpu.memory_space<hbm>>
      %dma_start3A_333 = tpu.memref_slice %arg5[%add3A, %mul3A_326] : memref<32x409600xf32, #tpu.memory_space<hbm>> -> memref<1x8192xf32, #tpu.memory_space<hbm>>
      %dma_start3A_334 = tpu.memref_squeeze %dma_start3A_333 : memref<1x8192xf32, #tpu.memory_space<hbm>> -> memref<8192xf32, #tpu.memory_space<hbm>>
      %dma_start3A_335 = arith.constant 0 : i32
      %dma_start3A_336 = tpu.memref_slice %arg9[%dma_start3A_327, %dma_start3A_335] : memref<5x8192xf32, #tpu.memory_space<vmem>> -> memref<1x8192xf32, #tpu.memory_space<vmem>>
      %dma_start3A_337 = tpu.memref_squeeze %dma_start3A_336 : memref<1x8192xf32, #tpu.memory_space<vmem>> -> memref<8192xf32, #tpu.memory_space<vmem>>
      tpu.enqueue_dma source(%dma_start3A_337 : memref<8192xf32, #tpu.memory_space<vmem>>) target(%dma_start3A_334 : memref<8192xf32, #tpu.memory_space<hbm>>) target_semaphore(%arg12 : memref<!tpu.dma_semaphore, #tpu.memory_space<semaphore_mem>>)
      %add3A_338 = arith.constant 3 : i32
      %add3A_339 = arith.addi %mul3A_181, %add3A_338 : i32
      %dma_wait3A_340 = arith.constant 3 : i32
      %dma_wait3A_341 = arith.constant 0 : i32
      %dma_wait3A_342 = arith.constant 0 : i32
      %dma_wait3A_343 = tpu.memref_slice %arg7[%dma_wait3A_340, %dma_wait3A_341, %dma_wait3A_342] : memref<5x128x32xf32, #tpu.memory_space<vmem>> -> memref<1x128x32xf32, #tpu.memory_space<vmem>>
      %dma_wait3A_344 = tpu.memref_squeeze %dma_wait3A_343 : memref<1x128x32xf32, #tpu.memory_space<vmem>> -> memref<128x32xf32, #tpu.memory_space<vmem>>
      %dma_wait3A_345 = arith.constant 0 : i32
      %dma_wait3A_346 = tpu.memref_slice %arg6[%add3A_339, %dma_wait3A_345] : memref<50x128xi32, #tpu.memory_space<vmem>> -> memref<1x128xi32, #tpu.memory_space<vmem>>
      %dma_wait3A_347 = tpu.memref_squeeze %dma_wait3A_346 : memref<1x128xi32, #tpu.memory_space<vmem>> -> memref<128xi32, #tpu.memory_space<vmem>>
      %dma_wait3A_348 = arith.constant 0 : i32
      %dma_wait3A_349 = arith.constant 0 : i32
      %dma_wait3A_350 = tpu.memref_slice %arg3[%dma_wait3A_348, %dma_wait3A_349] : memref<1000000x32xf32, #tpu.memory_space<hbm>> -> memref<1000000x32xf32, #tpu.memory_space<hbm>>
      tpu.wait_indirect_dma semaphore(%arg10 : memref<!tpu.dma_semaphore, #tpu.memory_space<semaphore_mem>>) src(%dma_wait3A_350 : memref<1000000x32xf32, #tpu.memory_space<hbm>>) dst(%dma_wait3A_344 : memref<128x32xf32, #tpu.memory_space<vmem>>)
      %dma_wait3A_351 = arith.constant 3 : i32
      %dma_wait3A_352 = arith.constant 0 : i32
      %dma_wait3A_353 = arith.constant 0 : i32
      %dma_wait3A_354 = tpu.memref_slice %arg8[%dma_wait3A_351, %dma_wait3A_352, %dma_wait3A_353] : memref<5x128x32xf32, #tpu.memory_space<vmem>> -> memref<1x128x32xf32, #tpu.memory_space<vmem>>
      %dma_wait3A_355 = tpu.memref_squeeze %dma_wait3A_354 : memref<1x128x32xf32, #tpu.memory_space<vmem>> -> memref<128x32xf32, #tpu.memory_space<vmem>>
      %dma_wait3A_356 = arith.constant 0 : i32
      %dma_wait3A_357 = tpu.memref_slice %arg6[%add3A_339, %dma_wait3A_356] : memref<50x128xi32, #tpu.memory_space<vmem>> -> memref<1x128xi32, #tpu.memory_space<vmem>>
      %dma_wait3A_358 = tpu.memref_squeeze %dma_wait3A_357 : memref<1x128xi32, #tpu.memory_space<vmem>> -> memref<128xi32, #tpu.memory_space<vmem>>
      %dma_wait3A_359 = arith.constant 0 : i32
      %dma_wait3A_360 = arith.constant 0 : i32
      %dma_wait3A_361 = tpu.memref_slice %arg4[%dma_wait3A_359, %dma_wait3A_360] : memref<1000000x32xf32, #tpu.memory_space<hbm>> -> memref<1000000x32xf32, #tpu.memory_space<hbm>>
      tpu.wait_indirect_dma semaphore(%arg11 : memref<!tpu.dma_semaphore, #tpu.memory_space<semaphore_mem>>) src(%dma_wait3A_361 : memref<1000000x32xf32, #tpu.memory_space<hbm>>) dst(%dma_wait3A_355 : memref<128x32xf32, #tpu.memory_space<vmem>>)
      %ge3A_362 = arith.constant 5 : i32
      %ge3A_363 = arith.cmpi sge, %add3A_339, %ge3A_362 : i32
      %convert_element_type3A_364 = arith.extui %ge3A_363 : i1 to i32
      %cond3A_365 = arith.constant 0 : i32
      %cond3A_366 = arith.cmpi ne, %convert_element_type3A_364, %cond3A_365 : i32
      scf.if %cond3A_366 {
        %sub3A_447 = arith.constant 5 : i32
        %sub3A_448 = arith.subi %add3A_339, %sub3A_447 : i32
        %mul3A_449 = arith.constant 8192 : i32
        %mul3A_450 = arith.muli %sub3A_448, %mul3A_449 : i32
        %dma_wait3A_451 = arith.constant 3 : i32
        %dma_wait3A_452 = arith.constant 0 : i32
        %dma_wait3A_453 = tpu.memref_slice %arg9[%dma_wait3A_451, %dma_wait3A_452] : memref<5x8192xf32, #tpu.memory_space<vmem>> -> memref<1x8192xf32, #tpu.memory_space<vmem>>
        %dma_wait3A_454 = tpu.memref_squeeze %dma_wait3A_453 : memref<1x8192xf32, #tpu.memory_space<vmem>> -> memref<8192xf32, #tpu.memory_space<vmem>>
        %dma_wait3A_455 = tpu.memref_slice %arg5[%add3A, %mul3A_450] : memref<32x409600xf32, #tpu.memory_space<hbm>> -> memref<1x8192xf32, #tpu.memory_space<hbm>>
        %dma_wait3A_456 = tpu.memref_squeeze %dma_wait3A_455 : memref<1x8192xf32, #tpu.memory_space<hbm>> -> memref<8192xf32, #tpu.memory_space<hbm>>
        %dma_wait3A_457 = tpu.memref_slice %arg5[%add3A, %mul3A_450] : memref<32x409600xf32, #tpu.memory_space<hbm>> -> memref<1x8192xf32, #tpu.memory_space<hbm>>
        %dma_wait3A_458 = tpu.memref_squeeze %dma_wait3A_457 : memref<1x8192xf32, #tpu.memory_space<hbm>> -> memref<8192xf32, #tpu.memory_space<hbm>>
        %dma_wait3A_459 = arith.constant 0 : i32
        %dma_wait3A_460 = tpu.memref_slice %arg9[%dma_wait3A_451, %dma_wait3A_459] : memref<5x8192xf32, #tpu.memory_space<vmem>> -> memref<1x8192xf32, #tpu.memory_space<vmem>>
        %dma_wait3A_461 = tpu.memref_squeeze %dma_wait3A_460 : memref<1x8192xf32, #tpu.memory_space<vmem>> -> memref<8192xf32, #tpu.memory_space<vmem>>
        tpu.wait_dma2 semaphore(%arg12 : memref<!tpu.dma_semaphore, #tpu.memory_space<semaphore_mem>>) src(%dma_wait3A_461 : memref<8192xf32, #tpu.memory_space<vmem>>) dst(%dma_wait3A_458 : memref<8192xf32, #tpu.memory_space<hbm>>)
      } else {
      }
      %parallel_loop3A_367 = arith.constant 0 : i32
      %parallel_loop3A_368 = arith.constant 128 : i32
      %parallel_loop3A_369 = arith.constant 1 : i32
      scf.for %parallel_loop3A_447 = %parallel_loop3A_367 to %parallel_loop3A_368 step %parallel_loop3A_369  : i32 {
        %parallel_loop3A_448 = arith.constant 64 : i32
        %parallel_loop3A_449 = arith.muli %parallel_loop3A_447, %parallel_loop3A_448 : i32
        %parallel_loop3A_450 = vector.broadcast %parallel_loop3A_449 : i32 to vector<16xi32>
        %parallel_loop3A_451 = arith.addi %parallel_loop3A_450, %mul3A_3 : vector<16xi32>
        %parallel_loop3A_452 = arith.constant 3 : i32
        %parallel_loop3A_453 = arith.index_cast %parallel_loop3A_452 : i32 to index
        %parallel_loop3A_454 = arith.index_cast %parallel_loop3A_447 : i32 to index
        %parallel_loop3A_455 = arith.constant 0 : index
        %parallel_loop3A_456 = tpu.vector_load %arg7[%parallel_loop3A_453, %parallel_loop3A_454, %parallel_loop3A_455] {strides = array<i32>} : memref<5x128x32xf32, #tpu.memory_space<vmem>>, vector<16xf32>,
        %parallel_loop3A_457 = arith.constant 3 : i32
        %parallel_loop3A_458 = arith.constant 0 : i32
        %parallel_loop3A_459 = tpu.memref_slice %arg9[%parallel_loop3A_457, %parallel_loop3A_458] : memref<5x8192xf32, #tpu.memory_space<vmem>> -> memref<1x8192xf32, #tpu.memory_space<vmem>>
        %parallel_loop3A_460 = tpu.memref_squeeze %parallel_loop3A_459 : memref<1x8192xf32, #tpu.memory_space<vmem>> -> memref<8192xf32, #tpu.memory_space<vmem>>
        tpu.vector_store_idx %parallel_loop3A_460[%parallel_loop3A_451], %parallel_loop3A_456 : memref<8192xf32, #tpu.memory_space<vmem>>[vector<16xi32>], vector<16xf32>,
        %parallel_loop3A_461 = vector.broadcast %parallel_loop3A_449 : i32 to vector<16xi32>
        %parallel_loop3A_462 = arith.addi %parallel_loop3A_461, %add3A_6 : vector<16xi32>
        %parallel_loop3A_463 = arith.constant 3 : i32
        %parallel_loop3A_464 = arith.index_cast %parallel_loop3A_463 : i32 to index
        %parallel_loop3A_465 = arith.index_cast %parallel_loop3A_447 : i32 to index
        %parallel_loop3A_466 = arith.constant 0 : index
        %parallel_loop3A_467 = tpu.vector_load %arg8[%parallel_loop3A_464, %parallel_loop3A_465, %parallel_loop3A_466] {strides = array<i32>} : memref<5x128x32xf32, #tpu.memory_space<vmem>>, vector<16xf32>,
        %parallel_loop3A_468 = arith.constant 3 : i32
        %parallel_loop3A_469 = arith.constant 0 : i32
        %parallel_loop3A_470 = tpu.memref_slice %arg9[%parallel_loop3A_468, %parallel_loop3A_469] : memref<5x8192xf32, #tpu.memory_space<vmem>> -> memref<1x8192xf32, #tpu.memory_space<vmem>>
        %parallel_loop3A_471 = tpu.memref_squeeze %parallel_loop3A_470 : memref<1x8192xf32, #tpu.memory_space<vmem>> -> memref<8192xf32, #tpu.memory_space<vmem>>
        tpu.vector_store_idx %parallel_loop3A_471[%parallel_loop3A_462], %parallel_loop3A_467 : memref<8192xf32, #tpu.memory_space<vmem>>[vector<16xi32>], vector<16xf32>,
        %parallel_loop3A_472 = vector.broadcast %parallel_loop3A_449 : i32 to vector<16xi32>
        %parallel_loop3A_473 = arith.addi %parallel_loop3A_472, %add3A_9 : vector<16xi32>
        %parallel_loop3A_474 = arith.constant 3 : i32
        %parallel_loop3A_475 = arith.index_cast %parallel_loop3A_474 : i32 to index
        %parallel_loop3A_476 = arith.index_cast %parallel_loop3A_447 : i32 to index
        %parallel_loop3A_477 = arith.constant 16 : index
        %parallel_loop3A_478 = tpu.vector_load %arg7[%parallel_loop3A_475, %parallel_loop3A_476, %parallel_loop3A_477] {strides = array<i32>} : memref<5x128x32xf32, #tpu.memory_space<vmem>>, vector<16xf32>,
        %parallel_loop3A_479 = arith.constant 3 : i32
        %parallel_loop3A_480 = arith.constant 0 : i32
        %parallel_loop3A_481 = tpu.memref_slice %arg9[%parallel_loop3A_479, %parallel_loop3A_480] : memref<5x8192xf32, #tpu.memory_space<vmem>> -> memref<1x8192xf32, #tpu.memory_space<vmem>>
        %parallel_loop3A_482 = tpu.memref_squeeze %parallel_loop3A_481 : memref<1x8192xf32, #tpu.memory_space<vmem>> -> memref<8192xf32, #tpu.memory_space<vmem>>
        tpu.vector_store_idx %parallel_loop3A_482[%parallel_loop3A_473], %parallel_loop3A_478 : memref<8192xf32, #tpu.memory_space<vmem>>[vector<16xi32>], vector<16xf32>,
        %parallel_loop3A_483 = vector.broadcast %parallel_loop3A_449 : i32 to vector<16xi32>
        %parallel_loop3A_484 = arith.addi %parallel_loop3A_483, %add3A_12 : vector<16xi32>
        %parallel_loop3A_485 = arith.constant 3 : i32
        %parallel_loop3A_486 = arith.index_cast %parallel_loop3A_485 : i32 to index
        %parallel_loop3A_487 = arith.index_cast %parallel_loop3A_447 : i32 to index
        %parallel_loop3A_488 = arith.constant 16 : index
        %parallel_loop3A_489 = tpu.vector_load %arg8[%parallel_loop3A_486, %parallel_loop3A_487, %parallel_loop3A_488] {strides = array<i32>} : memref<5x128x32xf32, #tpu.memory_space<vmem>>, vector<16xf32>,
        %parallel_loop3A_490 = arith.constant 3 : i32
        %parallel_loop3A_491 = arith.constant 0 : i32
        %parallel_loop3A_492 = tpu.memref_slice %arg9[%parallel_loop3A_490, %parallel_loop3A_491] : memref<5x8192xf32, #tpu.memory_space<vmem>> -> memref<1x8192xf32, #tpu.memory_space<vmem>>
        %parallel_loop3A_493 = tpu.memref_squeeze %parallel_loop3A_492 : memref<1x8192xf32, #tpu.memory_space<vmem>> -> memref<8192xf32, #tpu.memory_space<vmem>>
        tpu.vector_store_idx %parallel_loop3A_493[%parallel_loop3A_484], %parallel_loop3A_489 : memref<8192xf32, #tpu.memory_space<vmem>>[vector<16xi32>], vector<16xf32>,
      } {sc.loop_unroll_factor = 8 : i64, sc.parallel_access}
      %add3A_370 = arith.constant 5 : i32
      %add3A_371 = arith.addi %add3A_339, %add3A_370 : i32
      %sub3A_372 = arith.constant 1 : i32
      %sub3A_373 = arith.subi %add3A_371, %sub3A_372 : i32
      %lt3A_374 = arith.constant 50 : i32
      %lt3A_375 = arith.cmpi slt, %sub3A_373, %lt3A_374 : i32
      %convert_element_type3A_376 = arith.extui %lt3A_375 : i1 to i32
      %cond3A_377 = arith.constant 0 : i32
      %cond3A_378 = arith.cmpi ne, %convert_element_type3A_376, %cond3A_377 : i32
      scf.if %cond3A_378 {
        %add3A_447 = arith.constant 5 : i32
        %add3A_448 = arith.addi %add3A_339, %add3A_447 : i32
        %sub3A_449 = arith.constant 1 : i32
        %sub3A_450 = arith.subi %add3A_448, %sub3A_449 : i32
        %dma_start3A_451 = arith.constant 2 : i32
        %dma_start3A_452 = arith.constant 0 : i32
        %dma_start3A_453 = arith.constant 0 : i32
        %dma_start3A_454 = tpu.memref_slice %arg7[%dma_start3A_451, %dma_start3A_452, %dma_start3A_453] : memref<5x128x32xf32, #tpu.memory_space<vmem>> -> memref<1x128x32xf32, #tpu.memory_space<vmem>>
        %dma_start3A_455 = tpu.memref_squeeze %dma_start3A_454 : memref<1x128x32xf32, #tpu.memory_space<vmem>> -> memref<128x32xf32, #tpu.memory_space<vmem>>
        %dma_start3A_456 = arith.constant 0 : i32
        %dma_start3A_457 = tpu.memref_slice %arg6[%sub3A_450, %dma_start3A_456] : memref<50x128xi32, #tpu.memory_space<vmem>> -> memref<1x128xi32, #tpu.memory_space<vmem>>
        %dma_start3A_458 = tpu.memref_squeeze %dma_start3A_457 : memref<1x128xi32, #tpu.memory_space<vmem>> -> memref<128xi32, #tpu.memory_space<vmem>>
        %dma_start3A_459 = arith.constant 0 : i32
        %dma_start3A_460 = arith.constant 0 : i32
        %dma_start3A_461 = tpu.memref_slice %arg3[%dma_start3A_459, %dma_start3A_460] : memref<1000000x32xf32, #tpu.memory_space<hbm>> -> memref<1000000x32xf32, #tpu.memory_space<hbm>>
        tpu.enqueue_indirect_dma source(%dma_start3A_461 : memref<1000000x32xf32, #tpu.memory_space<hbm>>) target(%dma_start3A_455 : memref<128x32xf32, #tpu.memory_space<vmem>>) offsets(%dma_start3A_458 : memref<128xi32, #tpu.memory_space<vmem>>) semaphore(%arg10 : memref<!tpu.dma_semaphore, #tpu.memory_space<semaphore_mem>>)
        %dma_start3A_462 = arith.constant 2 : i32
        %dma_start3A_463 = arith.constant 0 : i32
        %dma_start3A_464 = arith.constant 0 : i32
        %dma_start3A_465 = tpu.memref_slice %arg8[%dma_start3A_462, %dma_start3A_463, %dma_start3A_464] : memref<5x128x32xf32, #tpu.memory_space<vmem>> -> memref<1x128x32xf32, #tpu.memory_space<vmem>>
        %dma_start3A_466 = tpu.memref_squeeze %dma_start3A_465 : memref<1x128x32xf32, #tpu.memory_space<vmem>> -> memref<128x32xf32, #tpu.memory_space<vmem>>
        %dma_start3A_467 = arith.constant 0 : i32
        %dma_start3A_468 = tpu.memref_slice %arg6[%sub3A_450, %dma_start3A_467] : memref<50x128xi32, #tpu.memory_space<vmem>> -> memref<1x128xi32, #tpu.memory_space<vmem>>
        %dma_start3A_469 = tpu.memref_squeeze %dma_start3A_468 : memref<1x128xi32, #tpu.memory_space<vmem>> -> memref<128xi32, #tpu.memory_space<vmem>>
        %dma_start3A_470 = arith.constant 0 : i32
        %dma_start3A_471 = arith.constant 0 : i32
        %dma_start3A_472 = tpu.memref_slice %arg4[%dma_start3A_470, %dma_start3A_471] : memref<1000000x32xf32, #tpu.memory_space<hbm>> -> memref<1000000x32xf32, #tpu.memory_space<hbm>>
        tpu.enqueue_indirect_dma source(%dma_start3A_472 : memref<1000000x32xf32, #tpu.memory_space<hbm>>) target(%dma_start3A_466 : memref<128x32xf32, #tpu.memory_space<vmem>>) offsets(%dma_start3A_469 : memref<128xi32, #tpu.memory_space<vmem>>) semaphore(%arg11 : memref<!tpu.dma_semaphore, #tpu.memory_space<semaphore_mem>>)
      } else {
      }
      %mul3A_379 = arith.constant 8192 : i32
      %mul3A_380 = arith.muli %add3A_339, %mul3A_379 : i32
      %dma_start3A_381 = arith.constant 3 : i32
      %dma_start3A_382 = arith.constant 0 : i32
      %dma_start3A_383 = tpu.memref_slice %arg9[%dma_start3A_381, %dma_start3A_382] : memref<5x8192xf32, #tpu.memory_space<vmem>> -> memref<1x8192xf32, #tpu.memory_space<vmem>>
      %dma_start3A_384 = tpu.memref_squeeze %dma_start3A_383 : memref<1x8192xf32, #tpu.memory_space<vmem>> -> memref<8192xf32, #tpu.memory_space<vmem>>
      %dma_start3A_385 = tpu.memref_slice %arg5[%add3A, %mul3A_380] : memref<32x409600xf32, #tpu.memory_space<hbm>> -> memref<1x8192xf32, #tpu.memory_space<hbm>>
      %dma_start3A_386 = tpu.memref_squeeze %dma_start3A_385 : memref<1x8192xf32, #tpu.memory_space<hbm>> -> memref<8192xf32, #tpu.memory_space<hbm>>
      %dma_start3A_387 = tpu.memref_slice %arg5[%add3A, %mul3A_380] : memref<32x409600xf32, #tpu.memory_space<hbm>> -> memref<1x8192xf32, #tpu.memory_space<hbm>>
      %dma_start3A_388 = tpu.memref_squeeze %dma_start3A_387 : memref<1x8192xf32, #tpu.memory_space<hbm>> -> memref<8192xf32, #tpu.memory_space<hbm>>
      %dma_start3A_389 = arith.constant 0 : i32
      %dma_start3A_390 = tpu.memref_slice %arg9[%dma_start3A_381, %dma_start3A_389] : memref<5x8192xf32, #tpu.memory_space<vmem>> -> memref<1x8192xf32, #tpu.memory_space<vmem>>
      %dma_start3A_391 = tpu.memref_squeeze %dma_start3A_390 : memref<1x8192xf32, #tpu.memory_space<vmem>> -> memref<8192xf32, #tpu.memory_space<vmem>>
      tpu.enqueue_dma source(%dma_start3A_391 : memref<8192xf32, #tpu.memory_space<vmem>>) target(%dma_start3A_388 : memref<8192xf32, #tpu.memory_space<hbm>>) target_semaphore(%arg12 : memref<!tpu.dma_semaphore, #tpu.memory_space<semaphore_mem>>)
      %add3A_392 = arith.constant 4 : i32
      %add3A_393 = arith.addi %mul3A_181, %add3A_392 : i32
      %dma_wait3A_394 = arith.constant 4 : i32
      %dma_wait3A_395 = arith.constant 0 : i32
      %dma_wait3A_396 = arith.constant 0 : i32
      %dma_wait3A_397 = tpu.memref_slice %arg7[%dma_wait3A_394, %dma_wait3A_395, %dma_wait3A_396] : memref<5x128x32xf32, #tpu.memory_space<vmem>> -> memref<1x128x32xf32, #tpu.memory_space<vmem>>
      %dma_wait3A_398 = tpu.memref_squeeze %dma_wait3A_397 : memref<1x128x32xf32, #tpu.memory_space<vmem>> -> memref<128x32xf32, #tpu.memory_space<vmem>>
      %dma_wait3A_399 = arith.constant 0 : i32
      %dma_wait3A_400 = tpu.memref_slice %arg6[%add3A_393, %dma_wait3A_399] : memref<50x128xi32, #tpu.memory_space<vmem>> -> memref<1x128xi32, #tpu.memory_space<vmem>>
      %dma_wait3A_401 = tpu.memref_squeeze %dma_wait3A_400 : memref<1x128xi32, #tpu.memory_space<vmem>> -> memref<128xi32, #tpu.memory_space<vmem>>
      %dma_wait3A_402 = arith.constant 0 : i32
      %dma_wait3A_403 = arith.constant 0 : i32
      %dma_wait3A_404 = tpu.memref_slice %arg3[%dma_wait3A_402, %dma_wait3A_403] : memref<1000000x32xf32, #tpu.memory_space<hbm>> -> memref<1000000x32xf32, #tpu.memory_space<hbm>>
      tpu.wait_indirect_dma semaphore(%arg10 : memref<!tpu.dma_semaphore, #tpu.memory_space<semaphore_mem>>) src(%dma_wait3A_404 : memref<1000000x32xf32, #tpu.memory_space<hbm>>) dst(%dma_wait3A_398 : memref<128x32xf32, #tpu.memory_space<vmem>>)
      %dma_wait3A_405 = arith.constant 4 : i32
      %dma_wait3A_406 = arith.constant 0 : i32
      %dma_wait3A_407 = arith.constant 0 : i32
      %dma_wait3A_408 = tpu.memref_slice %arg8[%dma_wait3A_405, %dma_wait3A_406, %dma_wait3A_407] : memref<5x128x32xf32, #tpu.memory_space<vmem>> -> memref<1x128x32xf32, #tpu.memory_space<vmem>>
      %dma_wait3A_409 = tpu.memref_squeeze %dma_wait3A_408 : memref<1x128x32xf32, #tpu.memory_space<vmem>> -> memref<128x32xf32, #tpu.memory_space<vmem>>
      %dma_wait3A_410 = arith.constant 0 : i32
      %dma_wait3A_411 = tpu.memref_slice %arg6[%add3A_393, %dma_wait3A_410] : memref<50x128xi32, #tpu.memory_space<vmem>> -> memref<1x128xi32, #tpu.memory_space<vmem>>
      %dma_wait3A_412 = tpu.memref_squeeze %dma_wait3A_411 : memref<1x128xi32, #tpu.memory_space<vmem>> -> memref<128xi32, #tpu.memory_space<vmem>>
      %dma_wait3A_413 = arith.constant 0 : i32
      %dma_wait3A_414 = arith.constant 0 : i32
      %dma_wait3A_415 = tpu.memref_slice %arg4[%dma_wait3A_413, %dma_wait3A_414] : memref<1000000x32xf32, #tpu.memory_space<hbm>> -> memref<1000000x32xf32, #tpu.memory_space<hbm>>
      tpu.wait_indirect_dma semaphore(%arg11 : memref<!tpu.dma_semaphore, #tpu.memory_space<semaphore_mem>>) src(%dma_wait3A_415 : memref<1000000x32xf32, #tpu.memory_space<hbm>>) dst(%dma_wait3A_409 : memref<128x32xf32, #tpu.memory_space<vmem>>)
      %ge3A_416 = arith.constant 5 : i32
      %ge3A_417 = arith.cmpi sge, %add3A_393, %ge3A_416 : i32
      %convert_element_type3A_418 = arith.extui %ge3A_417 : i1 to i32
      %cond3A_419 = arith.constant 0 : i32
      %cond3A_420 = arith.cmpi ne, %convert_element_type3A_418, %cond3A_419 : i32
      scf.if %cond3A_420 {
        %sub3A_447 = arith.constant 5 : i32
        %sub3A_448 = arith.subi %add3A_393, %sub3A_447 : i32
        %mul3A_449 = arith.constant 8192 : i32
        %mul3A_450 = arith.muli %sub3A_448, %mul3A_449 : i32
        %dma_wait3A_451 = arith.constant 4 : i32
        %dma_wait3A_452 = arith.constant 0 : i32
        %dma_wait3A_453 = tpu.memref_slice %arg9[%dma_wait3A_451, %dma_wait3A_452] : memref<5x8192xf32, #tpu.memory_space<vmem>> -> memref<1x8192xf32, #tpu.memory_space<vmem>>
        %dma_wait3A_454 = tpu.memref_squeeze %dma_wait3A_453 : memref<1x8192xf32, #tpu.memory_space<vmem>> -> memref<8192xf32, #tpu.memory_space<vmem>>
        %dma_wait3A_455 = tpu.memref_slice %arg5[%add3A, %mul3A_450] : memref<32x409600xf32, #tpu.memory_space<hbm>> -> memref<1x8192xf32, #tpu.memory_space<hbm>>
        %dma_wait3A_456 = tpu.memref_squeeze %dma_wait3A_455 : memref<1x8192xf32, #tpu.memory_space<hbm>> -> memref<8192xf32, #tpu.memory_space<hbm>>
        %dma_wait3A_457 = tpu.memref_slice %arg5[%add3A, %mul3A_450] : memref<32x409600xf32, #tpu.memory_space<hbm>> -> memref<1x8192xf32, #tpu.memory_space<hbm>>
        %dma_wait3A_458 = tpu.memref_squeeze %dma_wait3A_457 : memref<1x8192xf32, #tpu.memory_space<hbm>> -> memref<8192xf32, #tpu.memory_space<hbm>>
        %dma_wait3A_459 = arith.constant 0 : i32
        %dma_wait3A_460 = tpu.memref_slice %arg9[%dma_wait3A_451, %dma_wait3A_459] : memref<5x8192xf32, #tpu.memory_space<vmem>> -> memref<1x8192xf32, #tpu.memory_space<vmem>>
        %dma_wait3A_461 = tpu.memref_squeeze %dma_wait3A_460 : memref<1x8192xf32, #tpu.memory_space<vmem>> -> memref<8192xf32, #tpu.memory_space<vmem>>
        tpu.wait_dma2 semaphore(%arg12 : memref<!tpu.dma_semaphore, #tpu.memory_space<semaphore_mem>>) src(%dma_wait3A_461 : memref<8192xf32, #tpu.memory_space<vmem>>) dst(%dma_wait3A_458 : memref<8192xf32, #tpu.memory_space<hbm>>)
      } else {
      }
      %parallel_loop3A_421 = arith.constant 0 : i32
      %parallel_loop3A_422 = arith.constant 128 : i32
      %parallel_loop3A_423 = arith.constant 1 : i32
      scf.for %parallel_loop3A_447 = %parallel_loop3A_421 to %parallel_loop3A_422 step %parallel_loop3A_423  : i32 {
        %parallel_loop3A_448 = arith.constant 64 : i32
        %parallel_loop3A_449 = arith.muli %parallel_loop3A_447, %parallel_loop3A_448 : i32
        %parallel_loop3A_450 = vector.broadcast %parallel_loop3A_449 : i32 to vector<16xi32>
        %parallel_loop3A_451 = arith.addi %parallel_loop3A_450, %mul3A_3 : vector<16xi32>
        %parallel_loop3A_452 = arith.constant 4 : i32
        %parallel_loop3A_453 = arith.index_cast %parallel_loop3A_452 : i32 to index
        %parallel_loop3A_454 = arith.index_cast %parallel_loop3A_447 : i32 to index
        %parallel_loop3A_455 = arith.constant 0 : index
        %parallel_loop3A_456 = tpu.vector_load %arg7[%parallel_loop3A_453, %parallel_loop3A_454, %parallel_loop3A_455] {strides = array<i32>} : memref<5x128x32xf32, #tpu.memory_space<vmem>>, vector<16xf32>,
        %parallel_loop3A_457 = arith.constant 4 : i32
        %parallel_loop3A_458 = arith.constant 0 : i32
        %parallel_loop3A_459 = tpu.memref_slice %arg9[%parallel_loop3A_457, %parallel_loop3A_458] : memref<5x8192xf32, #tpu.memory_space<vmem>> -> memref<1x8192xf32, #tpu.memory_space<vmem>>
        %parallel_loop3A_460 = tpu.memref_squeeze %parallel_loop3A_459 : memref<1x8192xf32, #tpu.memory_space<vmem>> -> memref<8192xf32, #tpu.memory_space<vmem>>
        tpu.vector_store_idx %parallel_loop3A_460[%parallel_loop3A_451], %parallel_loop3A_456 : memref<8192xf32, #tpu.memory_space<vmem>>[vector<16xi32>], vector<16xf32>,
        %parallel_loop3A_461 = vector.broadcast %parallel_loop3A_449 : i32 to vector<16xi32>
        %parallel_loop3A_462 = arith.addi %parallel_loop3A_461, %add3A_6 : vector<16xi32>
        %parallel_loop3A_463 = arith.constant 4 : i32
        %parallel_loop3A_464 = arith.index_cast %parallel_loop3A_463 : i32 to index
        %parallel_loop3A_465 = arith.index_cast %parallel_loop3A_447 : i32 to index
        %parallel_loop3A_466 = arith.constant 0 : index
        %parallel_loop3A_467 = tpu.vector_load %arg8[%parallel_loop3A_464, %parallel_loop3A_465, %parallel_loop3A_466] {strides = array<i32>} : memref<5x128x32xf32, #tpu.memory_space<vmem>>, vector<16xf32>,
        %parallel_loop3A_468 = arith.constant 4 : i32
        %parallel_loop3A_469 = arith.constant 0 : i32
        %parallel_loop3A_470 = tpu.memref_slice %arg9[%parallel_loop3A_468, %parallel_loop3A_469] : memref<5x8192xf32, #tpu.memory_space<vmem>> -> memref<1x8192xf32, #tpu.memory_space<vmem>>
        %parallel_loop3A_471 = tpu.memref_squeeze %parallel_loop3A_470 : memref<1x8192xf32, #tpu.memory_space<vmem>> -> memref<8192xf32, #tpu.memory_space<vmem>>
        tpu.vector_store_idx %parallel_loop3A_471[%parallel_loop3A_462], %parallel_loop3A_467 : memref<8192xf32, #tpu.memory_space<vmem>>[vector<16xi32>], vector<16xf32>,
        %parallel_loop3A_472 = vector.broadcast %parallel_loop3A_449 : i32 to vector<16xi32>
        %parallel_loop3A_473 = arith.addi %parallel_loop3A_472, %add3A_9 : vector<16xi32>
        %parallel_loop3A_474 = arith.constant 4 : i32
        %parallel_loop3A_475 = arith.index_cast %parallel_loop3A_474 : i32 to index
        %parallel_loop3A_476 = arith.index_cast %parallel_loop3A_447 : i32 to index
        %parallel_loop3A_477 = arith.constant 16 : index
        %parallel_loop3A_478 = tpu.vector_load %arg7[%parallel_loop3A_475, %parallel_loop3A_476, %parallel_loop3A_477] {strides = array<i32>} : memref<5x128x32xf32, #tpu.memory_space<vmem>>, vector<16xf32>,
        %parallel_loop3A_479 = arith.constant 4 : i32
        %parallel_loop3A_480 = arith.constant 0 : i32
        %parallel_loop3A_481 = tpu.memref_slice %arg9[%parallel_loop3A_479, %parallel_loop3A_480] : memref<5x8192xf32, #tpu.memory_space<vmem>> -> memref<1x8192xf32, #tpu.memory_space<vmem>>
        %parallel_loop3A_482 = tpu.memref_squeeze %parallel_loop3A_481 : memref<1x8192xf32, #tpu.memory_space<vmem>> -> memref<8192xf32, #tpu.memory_space<vmem>>
        tpu.vector_store_idx %parallel_loop3A_482[%parallel_loop3A_473], %parallel_loop3A_478 : memref<8192xf32, #tpu.memory_space<vmem>>[vector<16xi32>], vector<16xf32>,
        %parallel_loop3A_483 = vector.broadcast %parallel_loop3A_449 : i32 to vector<16xi32>
        %parallel_loop3A_484 = arith.addi %parallel_loop3A_483, %add3A_12 : vector<16xi32>
        %parallel_loop3A_485 = arith.constant 4 : i32
        %parallel_loop3A_486 = arith.index_cast %parallel_loop3A_485 : i32 to index
        %parallel_loop3A_487 = arith.index_cast %parallel_loop3A_447 : i32 to index
        %parallel_loop3A_488 = arith.constant 16 : index
        %parallel_loop3A_489 = tpu.vector_load %arg8[%parallel_loop3A_486, %parallel_loop3A_487, %parallel_loop3A_488] {strides = array<i32>} : memref<5x128x32xf32, #tpu.memory_space<vmem>>, vector<16xf32>,
        %parallel_loop3A_490 = arith.constant 4 : i32
        %parallel_loop3A_491 = arith.constant 0 : i32
        %parallel_loop3A_492 = tpu.memref_slice %arg9[%parallel_loop3A_490, %parallel_loop3A_491] : memref<5x8192xf32, #tpu.memory_space<vmem>> -> memref<1x8192xf32, #tpu.memory_space<vmem>>
        %parallel_loop3A_493 = tpu.memref_squeeze %parallel_loop3A_492 : memref<1x8192xf32, #tpu.memory_space<vmem>> -> memref<8192xf32, #tpu.memory_space<vmem>>
        tpu.vector_store_idx %parallel_loop3A_493[%parallel_loop3A_484], %parallel_loop3A_489 : memref<8192xf32, #tpu.memory_space<vmem>>[vector<16xi32>], vector<16xf32>,
      } {sc.loop_unroll_factor = 8 : i64, sc.parallel_access}
      %add3A_424 = arith.constant 5 : i32
      %add3A_425 = arith.addi %add3A_393, %add3A_424 : i32
      %sub3A_426 = arith.constant 1 : i32
      %sub3A_427 = arith.subi %add3A_425, %sub3A_426 : i32
      %lt3A_428 = arith.constant 50 : i32
      %lt3A_429 = arith.cmpi slt, %sub3A_427, %lt3A_428 : i32
      %convert_element_type3A_430 = arith.extui %lt3A_429 : i1 to i32
      %cond3A_431 = arith.constant 0 : i32
      %cond3A_432 = arith.cmpi ne, %convert_element_type3A_430, %cond3A_431 : i32
      scf.if %cond3A_432 {
        %add3A_447 = arith.constant 5 : i32
        %add3A_448 = arith.addi %add3A_393, %add3A_447 : i32
        %sub3A_449 = arith.constant 1 : i32
        %sub3A_450 = arith.subi %add3A_448, %sub3A_449 : i32
        %dma_start3A_451 = arith.constant 3 : i32
        %dma_start3A_452 = arith.constant 0 : i32
        %dma_start3A_453 = arith.constant 0 : i32
        %dma_start3A_454 = tpu.memref_slice %arg7[%dma_start3A_451, %dma_start3A_452, %dma_start3A_453] : memref<5x128x32xf32, #tpu.memory_space<vmem>> -> memref<1x128x32xf32, #tpu.memory_space<vmem>>
        %dma_start3A_455 = tpu.memref_squeeze %dma_start3A_454 : memref<1x128x32xf32, #tpu.memory_space<vmem>> -> memref<128x32xf32, #tpu.memory_space<vmem>>
        %dma_start3A_456 = arith.constant 0 : i32
        %dma_start3A_457 = tpu.memref_slice %arg6[%sub3A_450, %dma_start3A_456] : memref<50x128xi32, #tpu.memory_space<vmem>> -> memref<1x128xi32, #tpu.memory_space<vmem>>
        %dma_start3A_458 = tpu.memref_squeeze %dma_start3A_457 : memref<1x128xi32, #tpu.memory_space<vmem>> -> memref<128xi32, #tpu.memory_space<vmem>>
        %dma_start3A_459 = arith.constant 0 : i32
        %dma_start3A_460 = arith.constant 0 : i32
        %dma_start3A_461 = tpu.memref_slice %arg3[%dma_start3A_459, %dma_start3A_460] : memref<1000000x32xf32, #tpu.memory_space<hbm>> -> memref<1000000x32xf32, #tpu.memory_space<hbm>>
        tpu.enqueue_indirect_dma source(%dma_start3A_461 : memref<1000000x32xf32, #tpu.memory_space<hbm>>) target(%dma_start3A_455 : memref<128x32xf32, #tpu.memory_space<vmem>>) offsets(%dma_start3A_458 : memref<128xi32, #tpu.memory_space<vmem>>) semaphore(%arg10 : memref<!tpu.dma_semaphore, #tpu.memory_space<semaphore_mem>>)
        %dma_start3A_462 = arith.constant 3 : i32
        %dma_start3A_463 = arith.constant 0 : i32
        %dma_start3A_464 = arith.constant 0 : i32
        %dma_start3A_465 = tpu.memref_slice %arg8[%dma_start3A_462, %dma_start3A_463, %dma_start3A_464] : memref<5x128x32xf32, #tpu.memory_space<vmem>> -> memref<1x128x32xf32, #tpu.memory_space<vmem>>
        %dma_start3A_466 = tpu.memref_squeeze %dma_start3A_465 : memref<1x128x32xf32, #tpu.memory_space<vmem>> -> memref<128x32xf32, #tpu.memory_space<vmem>>
        %dma_start3A_467 = arith.constant 0 : i32
        %dma_start3A_468 = tpu.memref_slice %arg6[%sub3A_450, %dma_start3A_467] : memref<50x128xi32, #tpu.memory_space<vmem>> -> memref<1x128xi32, #tpu.memory_space<vmem>>
        %dma_start3A_469 = tpu.memref_squeeze %dma_start3A_468 : memref<1x128xi32, #tpu.memory_space<vmem>> -> memref<128xi32, #tpu.memory_space<vmem>>
        %dma_start3A_470 = arith.constant 0 : i32
        %dma_start3A_471 = arith.constant 0 : i32
        %dma_start3A_472 = tpu.memref_slice %arg4[%dma_start3A_470, %dma_start3A_471] : memref<1000000x32xf32, #tpu.memory_space<hbm>> -> memref<1000000x32xf32, #tpu.memory_space<hbm>>
        tpu.enqueue_indirect_dma source(%dma_start3A_472 : memref<1000000x32xf32, #tpu.memory_space<hbm>>) target(%dma_start3A_466 : memref<128x32xf32, #tpu.memory_space<vmem>>) offsets(%dma_start3A_469 : memref<128xi32, #tpu.memory_space<vmem>>) semaphore(%arg11 : memref<!tpu.dma_semaphore, #tpu.memory_space<semaphore_mem>>)
      } else {
      }
      %mul3A_433 = arith.constant 8192 : i32
      %mul3A_434 = arith.muli %add3A_393, %mul3A_433 : i32
      %dma_start3A_435 = arith.constant 4 : i32
      %dma_start3A_436 = arith.constant 0 : i32
      %dma_start3A_437 = tpu.memref_slice %arg9[%dma_start3A_435, %dma_start3A_436] : memref<5x8192xf32, #tpu.memory_space<vmem>> -> memref<1x8192xf32, #tpu.memory_space<vmem>>
      %dma_start3A_438 = tpu.memref_squeeze %dma_start3A_437 : memref<1x8192xf32, #tpu.memory_space<vmem>> -> memref<8192xf32, #tpu.memory_space<vmem>>
      %dma_start3A_439 = tpu.memref_slice %arg5[%add3A, %mul3A_434] : memref<32x409600xf32, #tpu.memory_space<hbm>> -> memref<1x8192xf32, #tpu.memory_space<hbm>>
      %dma_start3A_440 = tpu.memref_squeeze %dma_start3A_439 : memref<1x8192xf32, #tpu.memory_space<hbm>> -> memref<8192xf32, #tpu.memory_space<hbm>>
      %dma_start3A_441 = tpu.memref_slice %arg5[%add3A, %mul3A_434] : memref<32x409600xf32, #tpu.memory_space<hbm>> -> memref<1x8192xf32, #tpu.memory_space<hbm>>
      %dma_start3A_442 = tpu.memref_squeeze %dma_start3A_441 : memref<1x8192xf32, #tpu.memory_space<hbm>> -> memref<8192xf32, #tpu.memory_space<hbm>>
      %dma_start3A_443 = arith.constant 0 : i32
      %dma_start3A_444 = tpu.memref_slice %arg9[%dma_start3A_435, %dma_start3A_443] : memref<5x8192xf32, #tpu.memory_space<vmem>> -> memref<1x8192xf32, #tpu.memory_space<vmem>>
      %dma_start3A_445 = tpu.memref_squeeze %dma_start3A_444 : memref<1x8192xf32, #tpu.memory_space<vmem>> -> memref<8192xf32, #tpu.memory_space<vmem>>
      tpu.enqueue_dma source(%dma_start3A_445 : memref<8192xf32, #tpu.memory_space<vmem>>) target(%dma_start3A_442 : memref<8192xf32, #tpu.memory_space<hbm>>) target_semaphore(%arg12 : memref<!tpu.dma_semaphore, #tpu.memory_space<semaphore_mem>>)
      %scan3A_446 = arith.constant 0 : i32
      scf.yield %scan3A_446 : i32
    }
    %scan3A_113 = arith.constant 10 : i32
    %dma_wait3A = arith.constant 0 : i32
    %dma_wait3A_114 = arith.constant 0 : i32
    %dma_wait3A_115 = tpu.memref_slice %arg9[%dma_wait3A, %dma_wait3A_114] : memref<5x8192xf32, #tpu.memory_space<vmem>> -> memref<1x8192xf32, #tpu.memory_space<vmem>>
    %dma_wait3A_116 = tpu.memref_squeeze %dma_wait3A_115 : memref<1x8192xf32, #tpu.memory_space<vmem>> -> memref<8192xf32, #tpu.memory_space<vmem>>
    %dma_wait3A_117 = arith.constant 368640 : i32
    %dma_wait3A_118 = tpu.memref_slice %arg5[%add3A, %dma_wait3A_117] : memref<32x409600xf32, #tpu.memory_space<hbm>> -> memref<1x8192xf32, #tpu.memory_space<hbm>>
    %dma_wait3A_119 = tpu.memref_squeeze %dma_wait3A_118 : memref<1x8192xf32, #tpu.memory_space<hbm>> -> memref<8192xf32, #tpu.memory_space<hbm>>
    %dma_wait3A_120 = arith.constant 368640 : i32
    %dma_wait3A_121 = tpu.memref_slice %arg5[%add3A, %dma_wait3A_120] : memref<32x409600xf32, #tpu.memory_space<hbm>> -> memref<1x8192xf32, #tpu.memory_space<hbm>>
    %dma_wait3A_122 = tpu.memref_squeeze %dma_wait3A_121 : memref<1x8192xf32, #tpu.memory_space<hbm>> -> memref<8192xf32, #tpu.memory_space<hbm>>
    %dma_wait3A_123 = arith.constant 0 : i32
    %dma_wait3A_124 = tpu.memref_slice %arg9[%dma_wait3A, %dma_wait3A_123] : memref<5x8192xf32, #tpu.memory_space<vmem>> -> memref<1x8192xf32, #tpu.memory_space<vmem>>
    %dma_wait3A_125 = tpu.memref_squeeze %dma_wait3A_124 : memref<1x8192xf32, #tpu.memory_space<vmem>> -> memref<8192xf32, #tpu.memory_space<vmem>>
    tpu.wait_dma2 semaphore(%arg12 : memref<!tpu.dma_semaphore, #tpu.memory_space<semaphore_mem>>) src(%dma_wait3A_125 : memref<8192xf32, #tpu.memory_space<vmem>>) dst(%dma_wait3A_122 : memref<8192xf32, #tpu.memory_space<hbm>>)
    %dma_wait3A_126 = arith.constant 1 : i32
    %dma_wait3A_127 = arith.constant 0 : i32
    %dma_wait3A_128 = tpu.memref_slice %arg9[%dma_wait3A_126, %dma_wait3A_127] : memref<5x8192xf32, #tpu.memory_space<vmem>> -> memref<1x8192xf32, #tpu.memory_space<vmem>>
    %dma_wait3A_129 = tpu.memref_squeeze %dma_wait3A_128 : memref<1x8192xf32, #tpu.memory_space<vmem>> -> memref<8192xf32, #tpu.memory_space<vmem>>
    %dma_wait3A_130 = arith.constant 376832 : i32
    %dma_wait3A_131 = tpu.memref_slice %arg5[%add3A, %dma_wait3A_130] : memref<32x409600xf32, #tpu.memory_space<hbm>> -> memref<1x8192xf32, #tpu.memory_space<hbm>>
    %dma_wait3A_132 = tpu.memref_squeeze %dma_wait3A_131 : memref<1x8192xf32, #tpu.memory_space<hbm>> -> memref<8192xf32, #tpu.memory_space<hbm>>
    %dma_wait3A_133 = arith.constant 376832 : i32
    %dma_wait3A_134 = tpu.memref_slice %arg5[%add3A, %dma_wait3A_133] : memref<32x409600xf32, #tpu.memory_space<hbm>> -> memref<1x8192xf32, #tpu.memory_space<hbm>>
    %dma_wait3A_135 = tpu.memref_squeeze %dma_wait3A_134 : memref<1x8192xf32, #tpu.memory_space<hbm>> -> memref<8192xf32, #tpu.memory_space<hbm>>
    %dma_wait3A_136 = arith.constant 0 : i32
    %dma_wait3A_137 = tpu.memref_slice %arg9[%dma_wait3A_126, %dma_wait3A_136] : memref<5x8192xf32, #tpu.memory_space<vmem>> -> memref<1x8192xf32, #tpu.memory_space<vmem>>
    %dma_wait3A_138 = tpu.memref_squeeze %dma_wait3A_137 : memref<1x8192xf32, #tpu.memory_space<vmem>> -> memref<8192xf32, #tpu.memory_space<vmem>>
    tpu.wait_dma2 semaphore(%arg12 : memref<!tpu.dma_semaphore, #tpu.memory_space<semaphore_mem>>) src(%dma_wait3A_138 : memref<8192xf32, #tpu.memory_space<vmem>>) dst(%dma_wait3A_135 : memref<8192xf32, #tpu.memory_space<hbm>>)
    %dma_wait3A_139 = arith.constant 2 : i32
    %dma_wait3A_140 = arith.constant 0 : i32
    %dma_wait3A_141 = tpu.memref_slice %arg9[%dma_wait3A_139, %dma_wait3A_140] : memref<5x8192xf32, #tpu.memory_space<vmem>> -> memref<1x8192xf32, #tpu.memory_space<vmem>>
    %dma_wait3A_142 = tpu.memref_squeeze %dma_wait3A_141 : memref<1x8192xf32, #tpu.memory_space<vmem>> -> memref<8192xf32, #tpu.memory_space<vmem>>
    %dma_wait3A_143 = arith.constant 385024 : i32
    %dma_wait3A_144 = tpu.memref_slice %arg5[%add3A, %dma_wait3A_143] : memref<32x409600xf32, #tpu.memory_space<hbm>> -> memref<1x8192xf32, #tpu.memory_space<hbm>>
    %dma_wait3A_145 = tpu.memref_squeeze %dma_wait3A_144 : memref<1x8192xf32, #tpu.memory_space<hbm>> -> memref<8192xf32, #tpu.memory_space<hbm>>
    %dma_wait3A_146 = arith.constant 385024 : i32
    %dma_wait3A_147 = tpu.memref_slice %arg5[%add3A, %dma_wait3A_146] : memref<32x409600xf32, #tpu.memory_space<hbm>> -> memref<1x8192xf32, #tpu.memory_space<hbm>>
    %dma_wait3A_148 = tpu.memref_squeeze %dma_wait3A_147 : memref<1x8192xf32, #tpu.memory_space<hbm>> -> memref<8192xf32, #tpu.memory_space<hbm>>
    %dma_wait3A_149 = arith.constant 0 : i32
    %dma_wait3A_150 = tpu.memref_slice %arg9[%dma_wait3A_139, %dma_wait3A_149] : memref<5x8192xf32, #tpu.memory_space<vmem>> -> memref<1x8192xf32, #tpu.memory_space<vmem>>
    %dma_wait3A_151 = tpu.memref_squeeze %dma_wait3A_150 : memref<1x8192xf32, #tpu.memory_space<vmem>> -> memref<8192xf32, #tpu.memory_space<vmem>>
    tpu.wait_dma2 semaphore(%arg12 : memref<!tpu.dma_semaphore, #tpu.memory_space<semaphore_mem>>) src(%dma_wait3A_151 : memref<8192xf32, #tpu.memory_space<vmem>>) dst(%dma_wait3A_148 : memref<8192xf32, #tpu.memory_space<hbm>>)
    %dma_wait3A_152 = arith.constant 3 : i32
    %dma_wait3A_153 = arith.constant 0 : i32
    %dma_wait3A_154 = tpu.memref_slice %arg9[%dma_wait3A_152, %dma_wait3A_153] : memref<5x8192xf32, #tpu.memory_space<vmem>> -> memref<1x8192xf32, #tpu.memory_space<vmem>>
    %dma_wait3A_155 = tpu.memref_squeeze %dma_wait3A_154 : memref<1x8192xf32, #tpu.memory_space<vmem>> -> memref<8192xf32, #tpu.memory_space<vmem>>
    %dma_wait3A_156 = arith.constant 393216 : i32
    %dma_wait3A_157 = tpu.memref_slice %arg5[%add3A, %dma_wait3A_156] : memref<32x409600xf32, #tpu.memory_space<hbm>> -> memref<1x8192xf32, #tpu.memory_space<hbm>>
    %dma_wait3A_158 = tpu.memref_squeeze %dma_wait3A_157 : memref<1x8192xf32, #tpu.memory_space<hbm>> -> memref<8192xf32, #tpu.memory_space<hbm>>
    %dma_wait3A_159 = arith.constant 393216 : i32
    %dma_wait3A_160 = tpu.memref_slice %arg5[%add3A, %dma_wait3A_159] : memref<32x409600xf32, #tpu.memory_space<hbm>> -> memref<1x8192xf32, #tpu.memory_space<hbm>>
    %dma_wait3A_161 = tpu.memref_squeeze %dma_wait3A_160 : memref<1x8192xf32, #tpu.memory_space<hbm>> -> memref<8192xf32, #tpu.memory_space<hbm>>
    %dma_wait3A_162 = arith.constant 0 : i32
    %dma_wait3A_163 = tpu.memref_slice %arg9[%dma_wait3A_152, %dma_wait3A_162] : memref<5x8192xf32, #tpu.memory_space<vmem>> -> memref<1x8192xf32, #tpu.memory_space<vmem>>
    %dma_wait3A_164 = tpu.memref_squeeze %dma_wait3A_163 : memref<1x8192xf32, #tpu.memory_space<vmem>> -> memref<8192xf32, #tpu.memory_space<vmem>>
    tpu.wait_dma2 semaphore(%arg12 : memref<!tpu.dma_semaphore, #tpu.memory_space<semaphore_mem>>) src(%dma_wait3A_164 : memref<8192xf32, #tpu.memory_space<vmem>>) dst(%dma_wait3A_161 : memref<8192xf32, #tpu.memory_space<hbm>>)
    %dma_wait3A_165 = arith.constant 4 : i32
    %dma_wait3A_166 = arith.constant 0 : i32
    %dma_wait3A_167 = tpu.memref_slice %arg9[%dma_wait3A_165, %dma_wait3A_166] : memref<5x8192xf32, #tpu.memory_space<vmem>> -> memref<1x8192xf32, #tpu.memory_space<vmem>>
    %dma_wait3A_168 = tpu.memref_squeeze %dma_wait3A_167 : memref<1x8192xf32, #tpu.memory_space<vmem>> -> memref<8192xf32, #tpu.memory_space<vmem>>
    %dma_wait3A_169 = arith.constant 401408 : i32
    %dma_wait3A_170 = tpu.memref_slice %arg5[%add3A, %dma_wait3A_169] : memref<32x409600xf32, #tpu.memory_space<hbm>> -> memref<1x8192xf32, #tpu.memory_space<hbm>>
    %dma_wait3A_171 = tpu.memref_squeeze %dma_wait3A_170 : memref<1x8192xf32, #tpu.memory_space<hbm>> -> memref<8192xf32, #tpu.memory_space<hbm>>
    %dma_wait3A_172 = arith.constant 401408 : i32
    %dma_wait3A_173 = tpu.memref_slice %arg5[%add3A, %dma_wait3A_172] : memref<32x409600xf32, #tpu.memory_space<hbm>> -> memref<1x8192xf32, #tpu.memory_space<hbm>>
    %dma_wait3A_174 = tpu.memref_squeeze %dma_wait3A_173 : memref<1x8192xf32, #tpu.memory_space<hbm>> -> memref<8192xf32, #tpu.memory_space<hbm>>
    %dma_wait3A_175 = arith.constant 0 : i32
    %dma_wait3A_176 = tpu.memref_slice %arg9[%dma_wait3A_165, %dma_wait3A_175] : memref<5x8192xf32, #tpu.memory_space<vmem>> -> memref<1x8192xf32, #tpu.memory_space<vmem>>
    %dma_wait3A_177 = tpu.memref_squeeze %dma_wait3A_176 : memref<1x8192xf32, #tpu.memory_space<vmem>> -> memref<8192xf32, #tpu.memory_space<vmem>>
    tpu.wait_dma2 semaphore(%arg12 : memref<!tpu.dma_semaphore, #tpu.memory_space<semaphore_mem>>) src(%dma_wait3A_177 : memref<8192xf32, #tpu.memory_space<vmem>>) dst(%dma_wait3A_174 : memref<8192xf32, #tpu.memory_space<hbm>>)
    return
  }
}

</mosaic_0001>

<sc_bundles>
// kernel: _spinor_embed.3.cloned.1.call-start
scs
__scs_entry_jumppad:
0x0: {  	(pc) =	sbr.rel $0x88, $3  }
0x1: {  	(tag) =	ssettag $0x0;
	lr =	simm.s32 $0x1  }
0x2: {  	[smem:$0x3F9E] =	sst lr;
	_ =	strace $0xD0000000  }
0x3: {  	_ = 	snop  }
0x4: {  	_ = 	snop  }
0x5: {  	_ = 	snop  }
0x6: {  	_ = 	snop  }
0x7: {  	_ = 	snop  }
__scs_overlays_trampoline_lowered:
0x8: {  	[smem:$0x3FAD] =	sst s0  }
0x9: {  	[smem:$0x3FAE] =	sst s1  }
0xa: {  	[smem:$0x3FAF] =	sst s2  }
0xb: {  	[smem:$0x3FB0] =	sst s3  }
0xc: {  	[smem:$0x3FB1] =	sst s4  }
0xd: {  	[smem:$0x3FB2] =	sst s5  }
0xe: {  	[smem:$0x3FB3] =	sst s6  }
0xf: {  	[smem:$0x3FB4] =	sst s7  }
0x10: {  	[smem:$0x3FB5] =	sst s8  }
0x11: {  	[smem:$0x3FB6] =	sst s9;
	s0 =	simm.s32 @!p0 $0x0  }
0x12: {  	s1 =	sld [smem:$0x3F9C];
	s0 =	simm.s32 @p0 $0x1  }
0x13: {  	[smem:$0x3FB7] =	sst s0;
	s0 =	simm.s32 @!p1 $0x0  }
0x14: {  	s2 =	sld [smem:$0x3F9B];
	s0 =	simm.s32 @p1 $0x1  }
0x15: {  	[smem:$0x3FB8] =	sst s0;
	s0 =	simm.s32 @!p2 $0x0  }
0x16: {  	s3 =	sld [smem:$0x3FDB];
	s0 =	simm.s32 @p2 $0x1  }
0x17: {  	s4 =	simm.s32 $0x1BF5;
	[smem:$0x3FBA] =	sst s0  }
0x18: {  	s0 =	sld [smem:$0x3F9D];
	_ =	swait.ge [sflag:s4], $0x0  }
0x19: {  	s7 =	sld [smem:$0x3F9E]  }
0x1a: {  	s8 =	sadd.s32 $0xFFFFE003, lr  }
0x1b: {  	s9 =	sadd.s32 $0xFFFFFEF7, lr;
	s5 =	simm.s32 $0xFFFFFFFF;
	p2 =	slt.u32 s8, $0xFFFFF086  }
0x1c: {  	p1 =	slt.u32 s9, $0xF7A;
	s5 =	simm.s32 @!p2 $0x0  }
0x1d: {  	s5 =	simm.s32 @p1 $0x1;
	p0 =	seq.s32 s7, s2  }
0x1e: {  	s7 =	smul.u32 @!p0 $0xF7A, s2;
	p2 =	seq.s32 @!p0 s5, $0x0  }
0x1f: {  	s9 =	smul.u32 $0xF7A, s1;
	s8 =	simm.s32 @!p0 $0x1BF5;
	p2 =	por !p2, p0  }
0x20: {  	[sflag:s8] =	ssyncset.s32 @!p0 $0xFFFFF086;
	s6 =	sadd.s32 @!p0 s3, s7;
	s7 =	simm.s32 @!p0 $0x108  }
0x21: {  	s3 =	sadd.s32 s3, s9;
	s6 =	sadd.s32 @!p0 $0x88, s6;
	s7 =	simm.s32 @p2 $0x1082  }
0x22: {  	[simem:s7], [sflag:s8] =	dma.local @!p0 [hbm:s6], $0xF7A  }
0x23: {  	s9 =	sor.u32 $0xD0000000, s2;
	s6 =	simm.s32 $0x108;
	_ =	swait.ge @!p0 [sflag:s8], $0x0  }
0x24: {  	s3 =	sadd.s32 $0x88, s3;
	s6 =	simm.s32 @!p1 $0x1082;
	[sflag:s4] =	ssyncset.s32 $0xFFFFF086  }
0x25: {  	[simem:s6], [sflag:s4] =	dma.local [hbm:s3], $0xF7A  }
0x26: {  	[smem:$0x3F9E] =	sst s1;
	(tag) =	ssettag s2;
	_ =	strace s9  }
0x27: {  	s1 =	sld [smem:$0x3FAE]  }
0x28: {  	s2 =	sld [smem:$0x3FAF]  }
0x29: {  	s4 =	sld [smem:$0x3FB1]  }
0x2a: {  	p0 =	seq.s32 s5, $0x0;
	s5 =	sld [smem:$0x3FB2]  }
0x2b: {  	s6 =	sld [smem:$0x3FB3]  }
0x2c: {  	s7 =	sld [smem:$0x3FB4]  }
0x2d: {  	s3 =	simm.s32 $0x108;
	s8 =	sld [smem:$0x3FB5]  }
0x2e: {  	s3 =	simm.s32 @!p0 $0x1082;
	s9 =	sld [smem:$0x3FB6]  }
0x2f: {  	lr =	sadd.s32 s0, s3;
	s0 =	sld [smem:$0x3FAD]  }
0x30: {  	s3 =	sld [smem:$0x3FB0]  }
0x31: {  	[smem:$0x3FB9] =	sst s10  }
0x32: {  	s10 =	sld [smem:$0x3FB7];
	_ =	sdelay $0x3  }
0x33: {  	p0 =	seq.s32 s10, $0x1;
	s10 =	sld [smem:$0x3FB9];
	_ =	sdelay $0x3  }
0x34: {  	[smem:$0x3FB9] =	sst s10  }
0x35: {  	s10 =	sld [smem:$0x3FB8];
	_ =	sdelay $0x3  }
0x36: {  	p1 =	seq.s32 s10, $0x1;
	s10 =	sld [smem:$0x3FB9];
	_ =	sdelay $0x3  }
0x37: {  	[smem:$0x3FB9] =	sst s10  }
0x38: {  	s10 =	sld [smem:$0x3FBA]  }
0x39: {  	_ = 	snop;
	(pc) =	sbr.ind lr, $3  }
0x3a: {  	_ = 	snop  }
0x3b: {  	_ = 	snop  }
0x3c: {  	p2 =	seq.s32 s10, $0x1;
	s10 =	sld [smem:$0x3FB9]  }
0x3d: {  	_ =	shalt  }
0x3e: {  	_ =	shalt  }
0x3f: {  	_ =	shalt  }
0x40: {  	_ =	shalt  }
0x41: {  	_ =	shalt  }
0x42: {  	_ =	shalt  }
0x43: {  	_ =	shalt  }
0x44: {  	_ =	shalt  }
0x45: {  	_ =	shalt  }
0x46: {  	_ =	shalt  }
0x47: {  	_ =	shalt  }
0x48: {  	_ =	shalt  }
0x49: {  	_ =	shalt  }
0x4a: {  	_ =	shalt  }
0x4b: {  	_ =	shalt  }
0x4c: {  	_ =	shalt  }
0x4d: {  	_ =	shalt  }
0x4e: {  	_ =	shalt  }
0x4f: {  	_ =	shalt  }
0x50: {  	_ =	shalt  }
0x51: {  	_ =	shalt  }
0x52: {  	_ =	shalt  }
0x53: {  	_ =	shalt  }
0x54: {  	_ =	shalt  }
0x55: {  	_ =	shalt  }
0x56: {  	_ =	shalt  }
0x57: {  	_ =	shalt  }
0x58: {  	_ =	shalt  }
0x59: {  	_ =	shalt  }
0x5a: {  	_ =	shalt  }
0x5b: {  	_ =	shalt  }
0x5c: {  	_ =	shalt  }
0x5d: {  	_ =	shalt  }
0x5e: {  	_ =	shalt  }
0x5f: {  	_ =	shalt  }
0x60: {  	_ =	shalt  }
0x61: {  	_ =	shalt  }
0x62: {  	_ =	shalt  }
0x63: {  	_ =	shalt  }
0x64: {  	_ =	shalt  }
0x65: {  	_ =	shalt  }
0x66: {  	_ =	shalt  }
0x67: {  	_ =	shalt  }
0x68: {  	_ =	shalt  }
0x69: {  	_ =	shalt  }
0x6a: {  	_ =	shalt  }
0x6b: {  	_ =	shalt  }
0x6c: {  	_ =	shalt  }
0x6d: {  	_ =	shalt  }
0x6e: {  	_ =	shalt  }
0x6f: {  	_ =	shalt  }
0x70: {  	_ =	shalt  }
0x71: {  	_ =	shalt  }
0x72: {  	_ =	shalt  }
0x73: {  	_ =	shalt  }
0x74: {  	_ =	shalt  }
0x75: {  	_ =	shalt  }
0x76: {  	_ =	shalt  }
0x77: {  	_ =	shalt  }
0x78: {  	_ =	shalt  }
0x79: {  	_ =	shalt  }
0x7a: {  	_ =	shalt  }
0x7b: {  	_ =	shalt  }
0x7c: {  	_ =	shalt  }
0x7d: {  	_ =	shalt  }
0x7e: {  	_ =	shalt  }
0x7f: {  	_ =	shalt  }
0x80: {  	_ =	shalt  }
0x81: {  	_ =	shalt  }
0x82: {  	_ =	shalt  }
0x83: {  	_ =	shalt  }
0x84: {  	_ =	shalt  }
0x85: {  	_ =	shalt  }
0x86: {  	_ =	shalt  }
0x87: {  	_ =	shalt  }
.Lfunc_end0:
.L_simem_size_0:
called_computation_lowered:
.L_overlay_start_0:
0x88: {  	s2 =	sld [smem:$0x3FD9]  }
0x89: {  	s3 =	sld [smem:$0x3FFE];
	_ =	sdelay $0x1  }
0x8a: {  	s1 =	srdreg.scid  }
0x8b: {  	s0 =	sand.u32 $0x1, s1  }
0x8c: {  	s17 =	sshll.u32 s0, $0xA;
	s2 =	sadd.s32 s3, s2  }
0x8d: {  	s2 =	sadd.s32 s2, s17  }
0x8e: {  	[smem:$0x3FC5] =	sst s2  }
0x8f: {  	_ = 	snop  }
0x90: {  	s2 =	sld [smem:$0x3FD0];
	(tm) =	ssettm $0x1  }
0x91: {  	s18 =	sld [smem:$0x3FFB];
	_ =	sdelay $0x3  }
0x92: {  	_ =	strace s18  }
0x93: {  	s3 =	sld [smem:$0x3FFC];
	_ =	sdelay $0x3  }
0x94: {  	_ =	strace s3  }
0x95: {  	s3 =	sld [smem:$0x3FFD];
	_ =	sdelay $0x3  }
0x96: {  	_ =	strace s3  }
0x97: {  	_ =	strace $0x8FFFFFFF  }
0x98: {  	s19 =	sld [smem:$0x3FDB];
	_ =	sdelay $0x1  }
0x99: {  	s4 =	simm.s32 $_scs_section_size  }
0x9a: {  	s5 =	simm.s32 $_size__tile_overlayer_lowered;
	s6 =	simm.s32 $_tile_overlayer_lowered  }
0x9b: {  	s22 =	simm.s32 $0x1BFF;
	s21 =	sshll.u32 s6, $0x1;
	s3 =	sadd.s32 s4, s19  }
0x9c: {  	s7 =	simm.s32 $0x0;
	s20 =	sshll.u32 s5, $0x1;
	s5 =	sadd.s32 s21, s3  }
0x9d: {  	[timem:s7], [sflag:s22] =	dma.local [hbm:s5], s20  }
0x9e: {  	_ =	swait.ge [sflag:s22], s20  }
0x9f: {  	s4 =	ssub.s32 $0x0, s20;
	[sflag:s22] =	ssyncset.done $0x0  }
0xa0: {  	[sflag:s22] =	ssyncadd.s32 s4;
	_ =	sdelay $0x1  }
0xa1: {  	s23 =	simm.s32 $0x1B8B  }
0xa2: {  	_ =	swait.ge [sflag:s23], $0x1  }
0xa3: {  	[sflag:s23] =	ssyncset.done $0x0  }
0xa4: {  	s25 =	simm.s32 $0x1B8E;
	s24 =	sld [smem:$0x3FFE];
	[sflag:s23] =	ssyncadd.s32 $0xFFFFFFFF  }
0xa5: {  	s26 =	simm.s32 $execute0_lowered;
	[smem:$0x3FD2] =	sst s25  }
0xa6: {  	s5 =	sshll.u32 s26, $0x1;
	_ =	strace $0x80000046;
	[dreg:$0x1] =	wrdreg $0xFFFFFFFF  }
0xa7: {  	s28 =	simm.s32 $_size_execute0_lowered;
	s3 =	sadd.s32 s3, s5;
	[dreg:$0x0] =	wrdreg $0x0  }
0xa8: {  	s5 =	sshll.u32 s28, $0x1;
	[dreg:$0x2] =	wrdreg s3  }
0xa9: {  	[dreg:$0x3] =	wrdreg s5  }
0xaa: {  	[dreg:$0x4] =	wrdreg $0xC0  }
0xab: {  	_ =	task [dreg:s7], $0x5FFFF  }
0xac: {  	[dreg:$0x1] =	wrdreg $0xFFFFFFFF  }
0xad: {  	[dreg:$0x0] =	wrdreg $0x60  }
0xae: {  	[dreg:$0x2] =	wrdreg s2  }
0xaf: {  	[dreg:$0x3] =	wrdreg s24  }
0xb0: {  	[dreg:$0x4] =	wrdreg $0x9  }
0xb1: {  	_ =	task.clear_ibuf [dreg:s7], $0x5FFFF;
	_ =	strace $0x90000046  }
0xb2: {  	s29 =	simm.s32 $0x9;
	_ =	strace $0x80000048  }
0xb3: {  	_ =	swait.ge [sflag:s29], $0x1  }
0xb4: {  	[sflag:s29] =	ssyncadd.s32 $0xFFFFFFFF  }
0xb5: {  	_ =	strace $0x90000048  }
0xb6: {  	_ =	sfence  }
0xb7: {  	s30 =	sld [smem:$0x0];
	_ =	sdelay $0x2  }
0xb8: {  	s31 =	sshll.u32 s1, $0xD;
	s1 =	sshrl.u32 s1, $0x2  }
0xb9: {  	s3 =	sand.u32 $0x4000, s31;
	s1 =	sadd.s32 s1, s30  }
0xba: {  	s0 =	sor.u32 s3, s0;
	s1 =	sshll.u32 s1, $0x11  }
0xbb: {  	s0 =	sor.u32 s1, s0  }
0xbc: {  	s0 =	sadd.s32 $0x8F2B, s0  }
0xbd: {  	[sflag:s0] =	ssyncadd.remote.s32 $0x1  }
0xbe: {  	_ =	sfence.sel $0xFFFF  }
0xbf: {  	[dreg:$0x0] =	wrdreg $0xFFFFFFFF;
	(pc) =	sbr.abs _section_cstart, $3  }
0xc0: {  	[dreg:$0x1] =	wrdreg $0xFFFFFFFF  }
0xc1: {  	_ =	task.clear_ibuf [dreg:s7], $0x2FFFF;
	_ =	strace $0x9FFFFFFF  }
0xc2: {  	(tm) =	ssettm $0x7FFFFFFF  }
0xc3: {  	_ =	shalt  }
tec
execute0_lowered:
.L_overlay_start_1:
0x0: {  	(tag) =	ssettag $0x1  }
0x1: {  	s0 =	rddreg [dreg:$0x0]  }
0x2: {  	s1 =	rddreg [dreg:$0x1];
	s3 =	srdreg.scid  }
0x3: {  	s2 =	simm.s32 $0x0;
	s5 =	stileid.u32;
	s4 =	sand.u32 $0x1, s3  }
0x4: {  	s30 =	simm.s32 $0xD900;
	s3 =	sshll.u32 s4, $0x4;
	s7 =	ssub.s32 $0x2, s4  }
0x5: {  	s31 =	simm.s32 $0xF900;
	s5 =	sor.u32 s5, s3;
	s9 =	sshrl.u32 s7, $0x1  }
0x6: {  	[smem:$0x7FF] =	sst s2;
	s8 =	smul.u32 $0x320, s5;
	s24 =	ssub.s32 s7, s9  }
0x7: {  	s6 =	sadd.s32 $0x600, s1;
	s5 =	smul.u32 $0x64000, s5;
	s29 =	smax.u32 s24, $0x1  }
0x8: {  	_ =	strace $0x80000047;
	s0 =	sadd.s32 s0, s8;
	[dreg:$0x7] =	wrdreg s29  }
0x9: {  	s4 =	sadd.s32 $0xF42A00, s1;
	s25 =	sor.u32 $0x2000, s5;
	[dreg:$0x3] =	wrdreg s0  }
0xa: {  	v0 =	vlaneseq.u32;
	s3 =	sadd.s32 $0x1313400, s1;
	s26 =	sadd.s32 $0x4000, s5;
	[dreg:$0x4] =	wrdreg s25  }
0xb: {  	v0 =	vmul.u32 $0x2, v0;
	s1 =	simm.s32 $0x13900;
	s28 =	sadd.s32 $0x6000, s5;
	[dreg:$0x5] =	wrdreg s26  }
0xc: {  	s9 =	simm.s32 $0x0;
	s24 =	simm.s32 $0x1;
	[dreg:$0x6] =	wrdreg s28  }
0xd: {  	v1 =	vor.u32 $0x1, v0;
	v2 =	vor.u32 $0x20, v0;
	v3 =	vor.u32 $0x21, v0;
	s25 =	simm.s32 $0x2;
	s26 =	simm.s32 $0xB900;
	s0 =	simm.s32 $0x11900  }
.LBB2_1:
0xe: {  	[dreg:$0x8] =	wrdreg s9  }
0xf: {  	s7 =	rddreg [dreg:$0x3];
	s15 =	simm.s32 $0x4  }
0x10: {  	[tilespmem:s2], [sflag:$0x4] =	stream.linear.gather [hbm4b:s7+s2], $0x1900, $0x38;
	[tilespmem:$0x15900] =	vst v63  }
0x11: {  	_ =	swait.ge [sflag:s15], $0x1900  }
0x12: {  	[sflag:s15] =	ssyncset.done $0x0  }
0x13: {  	s16 =	simm.s32 $0x80;
	s8 =	simm.s32 $0x1900;
	[sflag:s15] =	ssyncadd.s32 $0xFFFFE700  }
0x14: {  	[tilespmem:s8], [sflag:$0x1] =	stream.indirect.gather [hbm4b:s3+s16], $0x20, s2, s16, $0xb8;
	[tilespmem:$0x15900] =	vst v63  }
0x15: {  	s17 =	simm.s32 $0x6900  }
0x16: {  	[tilespmem:s17], [sflag:$0x2] =	stream.indirect.gather [hbm4b:s4+s16], $0x20, s2, s16, $0xb8;
	[tilespmem:$0x15900] =	vst v63  }
0x17: {  	s18 =	simm.s32 $0x2900  }
0x18: {  	[tilespmem:s18], [sflag:$0x1] =	stream.indirect.gather [hbm4b:s3+s16], $0x20, s16, s16, $0xb8;
	[tilespmem:$0x15900] =	vst v63  }
0x19: {  	s19 =	simm.s32 $0x7900  }
0x1a: {  	[tilespmem:s19], [sflag:$0x2] =	stream.indirect.gather [hbm4b:s4+s16], $0x20, s16, s16, $0xb8;
	[tilespmem:$0x15900] =	vst v63  }
0x1b: {  	s20 =	simm.s32 $0x100;
	s21 =	simm.s32 $0x3900  }
0x1c: {  	[tilespmem:s21], [sflag:$0x1] =	stream.indirect.gather [hbm4b:s3+s16], $0x20, s20, s16, $0xb8;
	[tilespmem:$0x15900] =	vst v63  }
0x1d: {  	s22 =	simm.s32 $0x8900  }
0x1e: {  	[tilespmem:s22], [sflag:$0x2] =	stream.indirect.gather [hbm4b:s4+s16], $0x20, s20, s16, $0xb8;
	[tilespmem:$0x15900] =	vst v63  }
0x1f: {  	s23 =	simm.s32 $0x180;
	s28 =	simm.s32 $0x4900  }
0x20: {  	[tilespmem:s28], [sflag:$0x1] =	stream.indirect.gather [hbm4b:s3+s16], $0x20, s23, s16, $0xb8;
	[tilespmem:$0x15900] =	vst v63  }
0x21: {  	s29 =	simm.s32 $0x9900  }
0x22: {  	[tilespmem:s29], [sflag:$0x2] =	stream.indirect.gather [hbm4b:s4+s16], $0x20, s23, s16, $0xb8;
	[tilespmem:$0x15900] =	vst v63  }
0x23: {  	s16 =	simm.s32 $0x0  }
.LBB2_2:
0x24: {  	_ =	swait.ge [sflag:s24], $0x1000  }
0x25: {  	[sflag:s24] =	ssyncset.done $0x0  }
0x26: {  	[sflag:s24] =	ssyncadd.s32 $0xFFFFF000  }
0x27: {  	_ =	swait.ge [sflag:s25], $0x1000  }
0x28: {  	p0 =	seq.s32 s16, $0x0;
	[sflag:s25] =	ssyncset.done $0x0  }
0x29: {  	s7 =	simm.s32 @!p0 $0x3;
	[sflag:s25] =	ssyncadd.s32 $0xFFFFF000  }
0x2a: {  	_ =	swait.ge @!p0 [sflag:s7], $0x2000  }
0x2b: {  	[sflag:s7] =	ssyncset.done @!p0 $0x0  }
0x2c: {  	s11 =	simm.s32 $0x1980;
	[sflag:s7] =	ssyncadd.s32 @!p0 $0xFFFFE000  }
0x2d: {  	s19 =	simm.s32 $0x180;
	v4 =	vld [tilespmem:s11+$0x20]  }
0x2e: {  	s14 =	simm.s32 $0x1C0;
	v5 =	vor.u32 s19, v0;
	v6 =	vld [tilespmem:s11+$0x40]  }
0x2f: {  	s8 =	simm.s32 $0x140;
	v7 =	vor.u32 s14, v0;
	v8 =	vld [tilespmem:s11+$0x60]  }
0x30: {  	s20 =	simm.s32 $0x100;
	v9 =	vor.u32 s8, v0;
	v10 =	vld [tilespmem:s11+$0xFFFFFF80]  }
0x31: {  	s15 =	simm.s32 $0x80;
	v11 =	vor.u32 s20, v0;
	v12 =	vld [tilespmem:s11+$0x0]  }
0x32: {  	s17 =	simm.s32 $0x40;
	v13 =	vor.u32 s15, v0;
	v14 =	vld [tilespmem:s11+$0xFFFFFFC0]  }
0x33: {  	v15 =	vor.u32 s17, v0;
	s7 =	simm.s32 $0xC0;
	v16 =	vld [tilespmem:s11+$0xFFFFFFA0];
	[tilespmem:v5+s26+$0x0] =	vst.idx.msk $0xffff, v6  }
0x34: {  	s18 =	simm.s32 $0x6980;
	s12 =	simm.s32 $0x0;
	v5 =	vld [tilespmem:s11+$0xFFFFFFE0];
	v6 =	vor.u32 s7, v0;
	[tilespmem:v7+s26+$0x0] =	vst.idx.msk $0xffff, v8  }
0x35: {  	v7 =	vor.u32 s12, v0;
	[tilespmem:v9+s26+$0x0] =	vst.idx.msk $0xffff, v4;
	v4 =	vld [tilespmem:s18+$0x60]  }
0x36: {  	[tilespmem:v11+s26+$0x0] =	vst.idx.msk $0xffff, v12;
	v9 =	vor.u32 s8, v1;
	v8 =	vld [tilespmem:s18+$0x20]  }
0x37: {  	[tilespmem:v13+s26+$0x0] =	vst.idx.msk $0xffff, v14;
	v12 =	vor.u32 s20, v1;
	v11 =	vld [tilespmem:s18+$0x0]  }
0x38: {  	[tilespmem:v15+s26+$0x0] =	vst.idx.msk $0xffff, v16;
	v14 =	vor.u32 s14, v1;
	v13 =	vld [tilespmem:s18+$0xFFFFFFC0]  }
0x39: {  	[tilespmem:v6+s26+$0x0] =	vst.idx.msk $0xffff, v5;
	v5 =	vld [tilespmem:s18+$0x40];
	v6 =	vor.u32 s19, v1  }
0x3a: {  	[tilespmem:v7+s26+$0x0] =	vst.idx.msk $0xffff, v10;
	v7 =	vld [tilespmem:s18+$0xFFFFFFA0];
	v10 =	vor.u32 s17, v1  }
0x3b: {  	v16 =	vor.u32 s12, v1;
	v15 =	vld [tilespmem:s18+$0xFFFFFF80];
	[tilespmem:v9+s26+$0x0] =	vst.idx.msk $0xffff, v8  }
0x3c: {  	v8 =	vor.u32 s15, v1;
	v9 =	vld [tilespmem:s18+$0xFFFFFFE0];
	[tilespmem:v12+s26+$0x0] =	vst.idx.msk $0xffff, v11  }
0x3d: {  	v11 =	vor.u32 s7, v1;
	[tilespmem:v14+s26+$0x0] =	vst.idx.msk $0xffff, v4;
	v12 =	vld [tilespmem:s11+$0x10]  }
0x3e: {  	v4 =	vor.u32 s20, v2;
	[tilespmem:v6+s26+$0x0] =	vst.idx.msk $0xffff, v5;
	v6 =	vld [tilespmem:s11+$0x70]  }
0x3f: {  	[tilespmem:v10+s26+$0x0] =	vst.idx.msk $0xffff, v7;
	v7 =	vld [tilespmem:s11+$0x30];
	v10 =	vor.u32 s8, v2  }
0x40: {  	v14 =	vor.u32 s14, v2;
	[tilespmem:v16+s26+$0x0] =	vst.idx.msk $0xffff, v15;
	v5 =	vld [tilespmem:s11+$0x50]  }
0x41: {  	v16 =	vor.u32 s12, v2;
	[tilespmem:v8+s26+$0x0] =	vst.idx.msk $0xffff, v13;
	v15 =	vld [tilespmem:s11+$0xFFFFFF90]  }
0x42: {  	v13 =	vor.u32 s15, v2;
	[tilespmem:v11+s26+$0x0] =	vst.idx.msk $0xffff, v9;
	v8 =	vld [tilespmem:s11+$0xFFFFFFD0]  }
0x43: {  	v17 =	vor.u32 s17, v2;
	v11 =	vld [tilespmem:s11+$0xFFFFFFB0];
	[tilespmem:v4+s26+$0x0] =	vst.idx.msk $0xffff, v12  }
0x44: {  	v18 =	vor.u32 s7, v2;
	v12 =	vld [tilespmem:s11+$0xFFFFFFF0];
	[tilespmem:v10+s26+$0x0] =	vst.idx.msk $0xffff, v7  }
0x45: {  	v9 =	vld [tilespmem:s18+$0x10];
	[tilespmem:v14+s26+$0x0] =	vst.idx.msk $0xffff, v6;
	v14 =	vor.u32 s19, v2  }
0x46: {  	v7 =	vld [tilespmem:s18+$0x70];
	[tilespmem:v16+s26+$0x0] =	vst.idx.msk $0xffff, v15;
	v15 =	vor.u32 s20, v3  }
0x47: {  	v6 =	vld [tilespmem:s18+$0x30];
	[tilespmem:v13+s26+$0x0] =	vst.idx.msk $0xffff, v8;
	v13 =	vor.u32 s14, v3  }
0x48: {  	v4 =	vor.u32 s12, v3;
	s11 =	smul.u32 $0x5, s16;
	s12 =	simm.s32 $0x0;
	[tilespmem:v17+s26+$0x0] =	vst.idx.msk $0xffff, v11;
	v11 =	vor.u32 s15, v3;
	v10 =	vld [tilespmem:s18+$0xFFFFFFD0]  }
0x49: {  	s15 =	simm.s32 $0x6A80;
	[tilespmem:v18+s26+$0x0] =	vst.idx.msk $0xffff, v12;
	v12 =	vor.u32 s8, v3;
	s14 =	simm.s32 $0x3C0;
	s20 =	simm.s32 $0x1A80;
	v8 =	vld [tilespmem:s18+$0xFFFFFF90]  }
.LBB2_3:
0x4a: {  	s23 =	sadd.s32 $0xFFFFFE40, s14;
	s8 =	sadd.s32 $0xFFFFFE80, s14;
	s21 =	sadd.s32 $0xFFFFFEC0, s14;
	v16 =	vld [tilespmem:s18+$0xFFFFFFB0];
	[tilespmem:v14+s26+$0x0] =	vst.idx.msk $0xffff, v5;
	v5 =	vor.u32 s19, v3;
	v18 =	vor.u32 s17, v3  }
0x4b: {  	s12 =	sadd.s32 $0x8, s12;
	v14 =	vor.u32 s8, v0;
	v17 =	vor.u32 s21, v0;
	[tilespmem:v15+s26+$0x0] =	vst.idx.msk $0xffff, v9;
	v9 =	vld [tilespmem:s18+$0x50];
	s17 =	smov.u32 s8  }
0x4c: {  	s19 =	sadd.s32 $0xFFFFFFC0, s14;
	v20 =	vor.u32 s7, v3;
	v15 =	vor.u32 s14, v0;
	p1 =	slt.u32 s12, $0x78;
	v19 =	vld [tilespmem:s18+$0xFFFFFFF0];
	[tilespmem:v13+s26+$0x0] =	vst.idx.msk $0xffff, v7;
	s18 =	smov.u32 s15  }
0x4d: {  	s22 =	sadd.s32 $0xFFFFFF80, s14;
	v22 =	vor.u32 s19, v0;
	v7 =	vor.u32 s23, v0;
	v13 =	vor.u32 s23, v3;
	v21 =	vld [tilespmem:s20+$0x20];
	[tilespmem:v11+s26+$0x0] =	vst.idx.msk $0xffff, v10  }
0x4e: {  	s28 =	sadd.s32 $0xFFFFFF40, s14;
	v10 =	vor.u32 s22, v0;
	v11 =	vld [tilespmem:s20+$0x40];
	[tilespmem:v12+s26+$0x0] =	vst.idx.msk $0xffff, v6  }
0x4f: {  	v6 =	vor.u32 s28, v0;
	v12 =	vld [tilespmem:s20+$0x60];
	[tilespmem:v4+s26+$0x0] =	vst.idx.msk $0xffff, v8;
	v4 =	vmov v13  }
0x50: {  	v8 =	vld [tilespmem:s20+$0xFFFFFF80];
	[tilespmem:v5+s26+$0x0] =	vst.idx.msk $0xffff, v9  }
0x51: {  	v5 =	vld [tilespmem:s20+$0x0];
	[tilespmem:v20+s26+$0x0] =	vst.idx.msk $0xffff, v19  }
0x52: {  	v9 =	vld [tilespmem:s20+$0xFFFFFFC0];
	[tilespmem:v18+s26+$0x0] =	vst.idx.msk $0xffff, v16  }
0x53: {  	s7 =	sadd.s32 $0xFFFFFF00, s14;
	v13 =	vld [tilespmem:s20+$0xFFFFFFA0];
	[tilespmem:v22+s26+$0x0] =	vst.idx.msk $0xffff, v11  }
0x54: {  	v16 =	vor.u32 s7, v0;
	v11 =	vld [tilespmem:s20+$0xFFFFFFE0];
	[tilespmem:v15+s26+$0x0] =	vst.idx.msk $0xffff, v12  }
0x55: {  	[tilespmem:v10+s26+$0x0] =	vst.idx.msk $0xffff, v21;
	v10 =	vld [tilespmem:s15+$0x60]  }
0x56: {  	[tilespmem:v6+s26+$0x0] =	vst.idx.msk $0xffff, v5;
	v5 =	vld [tilespmem:s15+$0x20];
	v6 =	vor.u32 s22, v1  }
0x57: {  	v12 =	vor.u32 s28, v1;
	[tilespmem:v17+s26+$0x0] =	vst.idx.msk $0xffff, v9;
	v9 =	vld [tilespmem:s15+$0x0]  }
0x58: {  	[tilespmem:v14+s26+$0x0] =	vst.idx.msk $0xffff, v13;
	v13 =	vld [tilespmem:s15+$0xFFFFFFC0];
	v14 =	vor.u32 s14, v1  }
0x59: {  	v15 =	vor.u32 s19, v1;
	[tilespmem:v16+s26+$0x0] =	vst.idx.msk $0xffff, v11;
	v11 =	vld [tilespmem:s15+$0x40]  }
0x5a: {  	[tilespmem:v7+s26+$0x0] =	vst.idx.msk $0xffff, v8;
	v7 =	vld [tilespmem:s15+$0xFFFFFFA0];
	v8 =	vor.u32 s17, v1  }
0x5b: {  	v17 =	vor.u32 s23, v1;
	v16 =	vld [tilespmem:s15+$0xFFFFFF80];
	[tilespmem:v6+s26+$0x0] =	vst.idx.msk $0xffff, v5  }
0x5c: {  	v6 =	vor.u32 s21, v1;
	v18 =	vld [tilespmem:s15+$0xFFFFFFE0];
	[tilespmem:v12+s26+$0x0] =	vst.idx.msk $0xffff, v9  }
0x5d: {  	v9 =	vor.u32 s7, v1;
	v12 =	vld [tilespmem:s20+$0x10];
	[tilespmem:v14+s26+$0x0] =	vst.idx.msk $0xffff, v10  }
0x5e: {  	v10 =	vor.u32 s28, v2;
	[tilespmem:v15+s26+$0x0] =	vst.idx.msk $0xffff, v11;
	v11 =	vld [tilespmem:s20+$0x70]  }
0x5f: {  	[tilespmem:v8+s26+$0x0] =	vst.idx.msk $0xffff, v7;
	v7 =	vld [tilespmem:s20+$0x30];
	v8 =	vor.u32 s22, v2  }
0x60: {  	v15 =	vor.u32 s14, v2;
	[tilespmem:v17+s26+$0x0] =	vst.idx.msk $0xffff, v16;
	v5 =	vld [tilespmem:s20+$0x50]  }
0x61: {  	v17 =	vor.u32 s23, v2;
	v16 =	vld [tilespmem:s20+$0xFFFFFF90];
	[tilespmem:v6+s26+$0x0] =	vst.idx.msk $0xffff, v13  }
0x62: {  	v13 =	vor.u32 s21, v2;
	v6 =	vld [tilespmem:s20+$0xFFFFFFD0];
	[tilespmem:v9+s26+$0x0] =	vst.idx.msk $0xffff, v18  }
0x63: {  	v19 =	vor.u32 s17, v2;
	v18 =	vld [tilespmem:s20+$0xFFFFFFB0];
	[tilespmem:v10+s26+$0x0] =	vst.idx.msk $0xffff, v12  }
0x64: {  	v20 =	vor.u32 s7, v2;
	v12 =	vld [tilespmem:s20+$0xFFFFFFF0];
	[tilespmem:v8+s26+$0x0] =	vst.idx.msk $0xffff, v7  }
.Ltmp0:
0x65: {  	v14 =	vor.u32 s19, v2;
	v9 =	vld [tilespmem:s15+$0x10];
	[tilespmem:v15+s26+$0x0] =	vst.idx.msk $0xffff, v11;
	(pc) =	sbr.rel @p1 .LBB2_3-.Ltmp0, $4  }
0x66: {  	v15 =	vor.u32 s28, v3;
	[tilespmem:v17+s26+$0x0] =	vst.idx.msk $0xffff, v16;
	v7 =	vld [tilespmem:s15+$0x70]  }
0x67: {  	[tilespmem:v13+s26+$0x0] =	vst.idx.msk $0xffff, v6;
	v6 =	vld [tilespmem:s15+$0x30];
	v13 =	vor.u32 s14, v3  }
0x68: {  	v11 =	vor.u32 s21, v3;
	[tilespmem:v19+s26+$0x0] =	vst.idx.msk $0xffff, v18;
	v10 =	vld [tilespmem:s15+$0xFFFFFFD0]  }
0x69: {  	s20 =	sadd.s32 $0x100, s20;
	s14 =	sadd.s32 $0x200, s14;
	s15 =	sadd.s32 $0x100, s15;
	v8 =	vld [tilespmem:s18+$0xFFFFFF90];
	[tilespmem:v20+s26+$0x0] =	vst.idx.msk $0xffff, v12;
	v12 =	vor.u32 s22, v3  }
0x6a: {  	_ =	sdelay $0x3  }
0x6b: {  	[tilespmem:v14+s26+$0x0] =	vst.idx.msk $0xffff, v5  }
0x6c: {  	[tilespmem:v15+s26+$0x0] =	vst.idx.msk $0xffff, v9;
	v14 =	vld [tilespmem:s18+$0xFFFFFFF0];
	v15 =	vor.u32 s7, v3  }
0x6d: {  	v5 =	vor.u32 s19, v3;
	v9 =	vld [tilespmem:s18+$0x50];
	[tilespmem:v13+s26+$0x0] =	vst.idx.msk $0xffff, v7  }
0x6e: {  	v7 =	vld [tilespmem:s18+$0xFFFFFFB0];
	v13 =	vor.u32 s17, v3;
	[tilespmem:v12+s26+$0x0] =	vst.idx.msk $0xffff, v6  }
0x6f: {  	[tilespmem:v11+s26+$0x0] =	vst.idx.msk $0xffff, v10  }
0x70: {  	[tilespmem:v4+s26+$0x0] =	vst.idx.msk $0xffff, v8  }
0x71: {  	s17 =	sadd.s32 $0x4, s11;
	[tilespmem:v15+s26+$0x0] =	vst.idx.msk $0xffff, v14  }
0x72: {  	s8 =	simm.s32 $0x80;
	s21 =	sshll.u32 s17, $0x7;
	[tilespmem:v5+s26+$0x0] =	vst.idx.msk $0xffff, v9  }
0x73: {  	s9 =	simm.s32 $0x5900;
	s19 =	smul.u32 $0xA000, s16;
	s7 =	sand.u32 $0x3FFFFF80, s21;
	[tilespmem:v13+s26+$0x0] =	vst.idx.msk $0xffff, v7  }
0x74: {  	[tilespmem:s9], [sflag:$0x1] =	stream.indirect.gather [hbm4b:s3+s8], $0x20, s7, s8, $0xb8;
	[tilespmem:$0x15900] =	vst v63  }
0x75: {  	s22 =	simm.s32 $0xA900;
	s23 =	sadd.s32 s5, s19  }
0x76: {  	[tilespmem:s22], [sflag:$0x2] =	stream.indirect.gather [hbm4b:s4+s8], $0x20, s7, s8, $0xb8;
	[tilespmem:$0x15900] =	vst v63  }
0x77: {  	s7 =	sshrl.u32 s23, $0x3  }
0x78: {  	s7 =	sadd.s32 s6, s7  }
0x79: {  	[hbm4b:s7+s2] =	stream.linear.scatter [tilespmem:s26], [sflag:$0x3], $0x2000, $0x38;
	[tilespmem:$0x15900] =	vst v63  }
0x7a: {  	_ =	swait.ge [sflag:s24], $0x1000  }
0x7b: {  	[sflag:s24] =	ssyncset.done $0x0  }
0x7c: {  	[sflag:s24] =	ssyncadd.s32 $0xFFFFF000  }
0x7d: {  	_ =	swait.ge [sflag:s25], $0x1000  }
0x7e: {  	[sflag:s25] =	ssyncset.done $0x0  }
0x7f: {  	s7 =	simm.s32 @!p0 $0x3;
	[sflag:s25] =	ssyncadd.s32 $0xFFFFF000  }
0x80: {  	_ =	swait.ge @!p0 [sflag:s7], $0x2000  }
0x81: {  	[sflag:s7] =	ssyncset.done @!p0 $0x0  }
0x82: {  	s28 =	simm.s32 $0x29F0;
	s22 =	simm.s32 $0x180;
	[sflag:s7] =	ssyncadd.s32 @!p0 $0xFFFFE000  }
0x83: {  	s12 =	simm.s32 $0x1C0;
	v5 =	vor.u32 s22, v0;
	v6 =	vld [tilespmem:s28+$0xFFFFFFD0]  }
0x84: {  	s29 =	simm.s32 $0x140;
	v7 =	vor.u32 s12, v0;
	v8 =	vld [tilespmem:s28+$0xFFFFFFF0]  }
0x85: {  	s15 =	simm.s32 $0x100;
	v9 =	vor.u32 s29, v0;
	v4 =	vld [tilespmem:s28+$0xFFFFFFB0]  }
0x86: {  	s14 =	simm.s32 $0x80;
	v11 =	vor.u32 s15, v0;
	v12 =	vld [tilespmem:s28+$0xFFFFFF90]  }
0x87: {  	s20 =	simm.s32 $0x40;
	v13 =	vor.u32 s14, v0;
	v14 =	vld [tilespmem:s28+$0xFFFFFF50]  }
0x88: {  	v15 =	vor.u32 s20, v0;
	s7 =	simm.s32 $0xC0;
	v16 =	vld [tilespmem:s28+$0xFFFFFF30];
	[tilespmem:v5+s30+$0x0] =	vst.idx.msk $0xffff, v6  }
0x89: {  	s21 =	simm.s32 $0x0;
	v5 =	vld [tilespmem:s28+$0xFFFFFF70];
	v6 =	vor.u32 s7, v0;
	[tilespmem:v7+s30+$0x0] =	vst.idx.msk $0xffff, v8  }
0x8a: {  	s18 =	simm.s32 $0x79F0;
	v10 =	vld [tilespmem:s28+$0xFFFFFF10];
	v7 =	vor.u32 s21, v0;
	[tilespmem:v9+s30+$0x0] =	vst.idx.msk $0xffff, v4  }
0x8b: {  	[tilespmem:v11+s30+$0x0] =	vst.idx.msk $0xffff, v12;
	v9 =	vor.u32 s29, v1;
	v8 =	vld [tilespmem:s18+$0xFFFFFFB0]  }
0x8c: {  	[tilespmem:v13+s30+$0x0] =	vst.idx.msk $0xffff, v14;
	v12 =	vor.u32 s15, v1;
	v11 =	vld [tilespmem:s18+$0xFFFFFF90]  }
0x8d: {  	[tilespmem:v15+s30+$0x0] =	vst.idx.msk $0xffff, v16;
	v14 =	vor.u32 s12, v1;
	v4 =	vld [tilespmem:s18+$0xFFFFFFF0]  }
0x8e: {  	[tilespmem:v6+s30+$0x0] =	vst.idx.msk $0xffff, v5;
	v5 =	vld [tilespmem:s18+$0xFFFFFFD0];
	v6 =	vor.u32 s22, v1  }
0x8f: {  	[tilespmem:v7+s30+$0x0] =	vst.idx.msk $0xffff, v10;
	v7 =	vld [tilespmem:s18+$0xFFFFFF30];
	v10 =	vor.u32 s20, v1  }
0x90: {  	v16 =	vor.u32 s21, v1;
	v15 =	vld [tilespmem:s18+$0xFFFFFF10];
	[tilespmem:v9+s30+$0x0] =	vst.idx.msk $0xffff, v8  }
0x91: {  	v13 =	vld [tilespmem:s18+$0xFFFFFF50];
	[tilespmem:v12+s30+$0x0] =	vst.idx.msk $0xffff, v11  }
0x92: {  	v8 =	vor.u32 s14, v1;
	v9 =	vld [tilespmem:s18+$0xFFFFFF70];
	[tilespmem:v14+s30+$0x0] =	vst.idx.msk $0xffff, v4  }
0x93: {  	v11 =	vor.u32 s7, v1;
	v12 =	vld [tilespmem:s28+$0xFFFFFFA0];
	[tilespmem:v6+s30+$0x0] =	vst.idx.msk $0xffff, v5  }
0x94: {  	v4 =	vor.u32 s15, v2;
	v6 =	vld [tilespmem:s28+$0x0];
	[tilespmem:v10+s30+$0x0] =	vst.idx.msk $0xffff, v7  }
0x95: {  	v14 =	vor.u32 s12, v2;
	v7 =	vld [tilespmem:s28+$0xFFFFFFC0];
	[tilespmem:v16+s30+$0x0] =	vst.idx.msk $0xffff, v15  }
0x96: {  	v16 =	vor.u32 s21, v2;
	v15 =	vld [tilespmem:s28+$0xFFFFFF20]  }
0x97: {  	v10 =	vor.u32 s29, v2;
	v5 =	vld [tilespmem:s28+$0xFFFFFFE0];
	[tilespmem:v8+s30+$0x0] =	vst.idx.msk $0xffff, v13  }
0x98: {  	v17 =	vor.u32 s14, v2;
	[tilespmem:v11+s30+$0x0] =	vst.idx.msk $0xffff, v9;
	v13 =	vld [tilespmem:s28+$0xFFFFFF60]  }
0x99: {  	v18 =	vor.u32 s20, v2;
	v11 =	vld [tilespmem:s28+$0xFFFFFF40];
	[tilespmem:v4+s30+$0x0] =	vst.idx.msk $0xffff, v12  }
0x9a: {  	v19 =	vor.u32 s7, v2;
	v12 =	vld [tilespmem:s28+$0xFFFFFF80];
	[tilespmem:v14+s30+$0x0] =	vst.idx.msk $0xffff, v6  }
0x9b: {  	v9 =	vld [tilespmem:s18+$0xFFFFFFA0];
	[tilespmem:v16+s30+$0x0] =	vst.idx.msk $0xffff, v15;
	v15 =	vor.u32 s22, v2  }
0x9c: {  	[tilespmem:v10+s30+$0x0] =	vst.idx.msk $0xffff, v7;
	v14 =	vor.u32 s15, v3;
	v8 =	vld [tilespmem:s18+$0x0]  }
0x9d: {  	v6 =	vld [tilespmem:s18+$0xFFFFFFC0];
	[tilespmem:v17+s30+$0x0] =	vst.idx.msk $0xffff, v13;
	v13 =	vor.u32 s12, v3  }
0x9e: {  	s11 =	simm.s32 $0x0;
	[tilespmem:v18+s30+$0x0] =	vst.idx.msk $0xffff, v11;
	v11 =	vor.u32 s14, v3;
	v10 =	vld [tilespmem:s18+$0xFFFFFF60]  }
0x9f: {  	v4 =	vor.u32 s21, v3;
	s15 =	simm.s32 $0x2AF0;
	s14 =	simm.s32 $0x7AF0;
	[tilespmem:v19+s30+$0x0] =	vst.idx.msk $0xffff, v12;
	v12 =	vor.u32 s29, v3;
	s12 =	simm.s32 $0x3C0;
	v7 =	vld [tilespmem:s18+$0xFFFFFF20]  }
.LBB2_5:
0xa0: {  	s28 =	sadd.s32 $0xFFFFFE40, s12;
	s8 =	sadd.s32 $0xFFFFFE80, s12;
	s21 =	sadd.s32 $0xFFFFFEC0, s12;
	v16 =	vld [tilespmem:s18+$0xFFFFFF40];
	[tilespmem:v15+s30+$0x0] =	vst.idx.msk $0xffff, v5;
	v5 =	vor.u32 s22, v3;
	v18 =	vor.u32 s20, v3  }
0xa1: {  	s11 =	sadd.s32 $0x8, s11;
	v15 =	vor.u32 s8, v0;
	v17 =	vor.u32 s21, v0;
	[tilespmem:v14+s30+$0x0] =	vst.idx.msk $0xffff, v9;
	v9 =	vld [tilespmem:s18+$0xFFFFFFE0];
	s20 =	smov.u32 s8  }
0xa2: {  	s22 =	sadd.s32 $0xFFFFFFC0, s12;
	v20 =	vor.u32 s7, v3;
	v14 =	vor.u32 s12, v0;
	p1 =	slt.u32 s11, $0x78;
	v19 =	vld [tilespmem:s18+$0xFFFFFF80];
	[tilespmem:v13+s30+$0x0] =	vst.idx.msk $0xffff, v8;
	s18 =	smov.u32 s14  }
0xa3: {  	s23 =	sadd.s32 $0xFFFFFF80, s12;
	v22 =	vor.u32 s22, v0;
	v8 =	vor.u32 s28, v0;
	v13 =	vor.u32 s28, v3;
	v21 =	vld [tilespmem:s15+$0xFFFFFFB0];
	[tilespmem:v11+s30+$0x0] =	vst.idx.msk $0xffff, v10  }
0xa4: {  	s29 =	sadd.s32 $0xFFFFFF40, s12;
	v10 =	vor.u32 s23, v0;
	v11 =	vld [tilespmem:s15+$0xFFFFFFD0];
	[tilespmem:v12+s30+$0x0] =	vst.idx.msk $0xffff, v6  }
0xa5: {  	v6 =	vor.u32 s29, v0;
	v12 =	vld [tilespmem:s15+$0xFFFFFFF0];
	[tilespmem:v4+s30+$0x0] =	vst.idx.msk $0xffff, v7;
	v4 =	vmov v13  }
0xa6: {  	v7 =	vld [tilespmem:s15+$0xFFFFFF10];
	[tilespmem:v5+s30+$0x0] =	vst.idx.msk $0xffff, v9  }
0xa7: {  	v5 =	vld [tilespmem:s15+$0xFFFFFF90];
	[tilespmem:v20+s30+$0x0] =	vst.idx.msk $0xffff, v19  }
0xa8: {  	v9 =	vld [tilespmem:s15+$0xFFFFFF50];
	[tilespmem:v18+s30+$0x0] =	vst.idx.msk $0xffff, v16  }
0xa9: {  	s7 =	sadd.s32 $0xFFFFFF00, s12;
	v13 =	vld [tilespmem:s15+$0xFFFFFF30];
	[tilespmem:v22+s30+$0x0] =	vst.idx.msk $0xffff, v11  }
0xaa: {  	v16 =	vor.u32 s7, v0;
	v11 =	vld [tilespmem:s15+$0xFFFFFF70];
	[tilespmem:v14+s30+$0x0] =	vst.idx.msk $0xffff, v12  }
0xab: {  	[tilespmem:v10+s30+$0x0] =	vst.idx.msk $0xffff, v21;
	v10 =	vld [tilespmem:s14+$0xFFFFFFF0]  }
0xac: {  	[tilespmem:v6+s30+$0x0] =	vst.idx.msk $0xffff, v5;
	v5 =	vld [tilespmem:s14+$0xFFFFFFB0];
	v6 =	vor.u32 s23, v1  }
0xad: {  	v12 =	vor.u32 s29, v1;
	[tilespmem:v17+s30+$0x0] =	vst.idx.msk $0xffff, v9;
	v9 =	vld [tilespmem:s14+$0xFFFFFF90]  }
0xae: {  	v14 =	vor.u32 s12, v1;
	[tilespmem:v15+s30+$0x0] =	vst.idx.msk $0xffff, v13;
	v13 =	vld [tilespmem:s14+$0xFFFFFF50]  }
0xaf: {  	v15 =	vor.u32 s22, v1;
	[tilespmem:v16+s30+$0x0] =	vst.idx.msk $0xffff, v11;
	v11 =	vld [tilespmem:s14+$0xFFFFFFD0]  }
0xb0: {  	[tilespmem:v8+s30+$0x0] =	vst.idx.msk $0xffff, v7;
	v7 =	vld [tilespmem:s14+$0xFFFFFF30];
	v8 =	vor.u32 s20, v1  }
0xb1: {  	v17 =	vor.u32 s28, v1;
	v16 =	vld [tilespmem:s14+$0xFFFFFF10];
	[tilespmem:v6+s30+$0x0] =	vst.idx.msk $0xffff, v5  }
0xb2: {  	v6 =	vor.u32 s21, v1;
	v18 =	vld [tilespmem:s14+$0xFFFFFF70];
	[tilespmem:v12+s30+$0x0] =	vst.idx.msk $0xffff, v9  }
0xb3: {  	v9 =	vor.u32 s7, v1;
	v12 =	vld [tilespmem:s15+$0xFFFFFFA0];
	[tilespmem:v14+s30+$0x0] =	vst.idx.msk $0xffff, v10  }
0xb4: {  	v10 =	vor.u32 s29, v2;
	[tilespmem:v15+s30+$0x0] =	vst.idx.msk $0xffff, v11;
	v11 =	vld [tilespmem:s15+$0x0]  }
0xb5: {  	[tilespmem:v8+s30+$0x0] =	vst.idx.msk $0xffff, v7;
	v7 =	vld [tilespmem:s15+$0xFFFFFFC0];
	v8 =	vor.u32 s23, v2  }
0xb6: {  	v14 =	vor.u32 s12, v2;
	[tilespmem:v17+s30+$0x0] =	vst.idx.msk $0xffff, v16;
	v5 =	vld [tilespmem:s15+$0xFFFFFFE0]  }
0xb7: {  	v17 =	vor.u32 s28, v2;
	v16 =	vld [tilespmem:s15+$0xFFFFFF20];
	[tilespmem:v6+s30+$0x0] =	vst.idx.msk $0xffff, v13  }
0xb8: {  	v13 =	vor.u32 s21, v2;
	v6 =	vld [tilespmem:s15+$0xFFFFFF60];
	[tilespmem:v9+s30+$0x0] =	vst.idx.msk $0xffff, v18  }
0xb9: {  	v19 =	vor.u32 s20, v2;
	v18 =	vld [tilespmem:s15+$0xFFFFFF40];
	[tilespmem:v10+s30+$0x0] =	vst.idx.msk $0xffff, v12  }
0xba: {  	v20 =	vor.u32 s7, v2;
	v12 =	vld [tilespmem:s15+$0xFFFFFF80];
	[tilespmem:v8+s30+$0x0] =	vst.idx.msk $0xffff, v7  }
.Ltmp1:
0xbb: {  	v15 =	vor.u32 s22, v2;
	v9 =	vld [tilespmem:s14+$0xFFFFFFA0];
	[tilespmem:v14+s30+$0x0] =	vst.idx.msk $0xffff, v11;
	(pc) =	sbr.rel @p1 .LBB2_5-.Ltmp1, $4  }
0xbc: {  	v14 =	vor.u32 s29, v3;
	[tilespmem:v17+s30+$0x0] =	vst.idx.msk $0xffff, v16;
	v8 =	vld [tilespmem:s14+$0x0]  }
0xbd: {  	[tilespmem:v13+s30+$0x0] =	vst.idx.msk $0xffff, v6;
	v6 =	vld [tilespmem:s14+$0xFFFFFFC0];
	v13 =	vor.u32 s12, v3  }
0xbe: {  	v11 =	vor.u32 s21, v3;
	[tilespmem:v19+s30+$0x0] =	vst.idx.msk $0xffff, v18;
	v10 =	vld [tilespmem:s14+$0xFFFFFF60]  }
0xbf: {  	s15 =	sadd.s32 $0x100, s15;
	s12 =	sadd.s32 $0x200, s12;
	s14 =	sadd.s32 $0x100, s14;
	v7 =	vld [tilespmem:s18+$0xFFFFFF20];
	[tilespmem:v20+s30+$0x0] =	vst.idx.msk $0xffff, v12;
	v12 =	vor.u32 s23, v3  }
0xc0: {  	_ =	sdelay $0x3  }
0xc1: {  	[tilespmem:v15+s30+$0x0] =	vst.idx.msk $0xffff, v5  }
0xc2: {  	[tilespmem:v14+s30+$0x0] =	vst.idx.msk $0xffff, v9;
	v14 =	vld [tilespmem:s18+$0xFFFFFF80];
	v15 =	vor.u32 s7, v3  }
0xc3: {  	v5 =	vor.u32 s22, v3;
	v9 =	vld [tilespmem:s18+$0xFFFFFFE0];
	[tilespmem:v13+s30+$0x0] =	vst.idx.msk $0xffff, v8  }
0xc4: {  	v8 =	vld [tilespmem:s18+$0xFFFFFF40];
	v13 =	vor.u32 s20, v3;
	[tilespmem:v12+s30+$0x0] =	vst.idx.msk $0xffff, v6  }
0xc5: {  	p1 =	seq.s32 s16, $0x9;
	[tilespmem:v11+s30+$0x0] =	vst.idx.msk $0xffff, v10  }
0xc6: {  	s7 =	smul.u32 @!p1 $0xA00, s16;
	[tilespmem:v4+s30+$0x0] =	vst.idx.msk $0xffff, v7  }
0xc7: {  	[tilespmem:v15+s30+$0x0] =	vst.idx.msk $0xffff, v14  }
0xc8: {  	s20 =	sshra.s32 @!p1 s7, $0x2;
	[tilespmem:v5+s30+$0x0] =	vst.idx.msk $0xffff, v9  }
0xc9: {  	s8 =	simm.s32 @!p1 $0x80;
	s11 =	simm.s32 @!p1 $0x1900;
	s7 =	sadd.s32 @!p1 $0x280, s20;
	[tilespmem:v13+s30+$0x0] =	vst.idx.msk $0xffff, v8  }
0xca: {  	[tilespmem:s11], [sflag:$0x1] =	stream.indirect.gather @!p1 [hbm4b:s3+s8], $0x20, s7, s8, $0xb8;
	[tilespmem:$0x15900] =	vst v63  }
0xcb: {  	s11 =	simm.s32 @!p1 $0x6900;
	s23 =	rddreg [dreg:$0x4]  }
0xcc: {  	[tilespmem:s11], [sflag:$0x2] =	stream.indirect.gather @!p1 [hbm4b:s4+s8], $0x20, s7, s8, $0xb8;
	[tilespmem:$0x15900] =	vst v63  }
0xcd: {  	s7 =	sadd.s32 s23, s19  }
0xce: {  	s7 =	sshrl.u32 s7, $0x3  }
0xcf: {  	s7 =	sadd.s32 s6, s7  }
0xd0: {  	[hbm4b:s7+s2] =	stream.linear.scatter [tilespmem:s30], [sflag:$0x3], $0x2000, $0x38;
	[tilespmem:$0x15900] =	vst v63  }
0xd1: {  	_ =	swait.ge [sflag:s24], $0x1000  }
0xd2: {  	[sflag:s24] =	ssyncset.done $0x0  }
0xd3: {  	[sflag:s24] =	ssyncadd.s32 $0xFFFFF000  }
0xd4: {  	_ =	swait.ge [sflag:s25], $0x1000  }
0xd5: {  	[sflag:s25] =	ssyncset.done $0x0  }
0xd6: {  	s7 =	simm.s32 @!p0 $0x3;
	[sflag:s25] =	ssyncadd.s32 $0xFFFFF000  }
0xd7: {  	_ =	swait.ge @!p0 [sflag:s7], $0x2000  }
0xd8: {  	[sflag:s7] =	ssyncset.done @!p0 $0x0  }
0xd9: {  	s28 =	simm.s32 $0x39F0;
	s23 =	simm.s32 $0x180;
	[sflag:s7] =	ssyncadd.s32 @!p0 $0xFFFFE000  }
0xda: {  	s12 =	simm.s32 $0x1C0;
	v5 =	vor.u32 s23, v0;
	v6 =	vld [tilespmem:s28+$0xFFFFFFD0]  }
0xdb: {  	s29 =	simm.s32 $0x140;
	v7 =	vor.u32 s12, v0;
	v8 =	vld [tilespmem:s28+$0xFFFFFFF0]  }
0xdc: {  	s15 =	simm.s32 $0x100;
	v9 =	vor.u32 s29, v0;
	v4 =	vld [tilespmem:s28+$0xFFFFFFB0]  }
0xdd: {  	s14 =	simm.s32 $0x80;
	v11 =	vor.u32 s15, v0;
	v12 =	vld [tilespmem:s28+$0xFFFFFF90]  }
0xde: {  	s22 =	simm.s32 $0x40;
	v13 =	vor.u32 s14, v0;
	v14 =	vld [tilespmem:s28+$0xFFFFFF50]  }
0xdf: {  	v15 =	vor.u32 s22, v0;
	s7 =	simm.s32 $0xC0;
	v16 =	vld [tilespmem:s28+$0xFFFFFF30];
	[tilespmem:v5+s31+$0x0] =	vst.idx.msk $0xffff, v6  }
0xe0: {  	s21 =	simm.s32 $0x0;
	v5 =	vld [tilespmem:s28+$0xFFFFFF70];
	v6 =	vor.u32 s7, v0;
	[tilespmem:v7+s31+$0x0] =	vst.idx.msk $0xffff, v8  }
0xe1: {  	s18 =	simm.s32 $0x89F0;
	v10 =	vld [tilespmem:s28+$0xFFFFFF10];
	v7 =	vor.u32 s21, v0;
	[tilespmem:v9+s31+$0x0] =	vst.idx.msk $0xffff, v4  }
0xe2: {  	[tilespmem:v11+s31+$0x0] =	vst.idx.msk $0xffff, v12;
	v9 =	vor.u32 s29, v1;
	v8 =	vld [tilespmem:s18+$0xFFFFFFB0]  }
0xe3: {  	[tilespmem:v13+s31+$0x0] =	vst.idx.msk $0xffff, v14;
	v12 =	vor.u32 s15, v1;
	v11 =	vld [tilespmem:s18+$0xFFFFFF90]  }
0xe4: {  	[tilespmem:v15+s31+$0x0] =	vst.idx.msk $0xffff, v16;
	v14 =	vor.u32 s12, v1;
	v4 =	vld [tilespmem:s18+$0xFFFFFFF0]  }
0xe5: {  	[tilespmem:v6+s31+$0x0] =	vst.idx.msk $0xffff, v5;
	v5 =	vld [tilespmem:s18+$0xFFFFFFD0];
	v6 =	vor.u32 s23, v1  }
0xe6: {  	[tilespmem:v7+s31+$0x0] =	vst.idx.msk $0xffff, v10;
	v7 =	vld [tilespmem:s18+$0xFFFFFF30];
	v10 =	vor.u32 s22, v1  }
0xe7: {  	v16 =	vor.u32 s21, v1;
	v15 =	vld [tilespmem:s18+$0xFFFFFF10];
	[tilespmem:v9+s31+$0x0] =	vst.idx.msk $0xffff, v8  }
0xe8: {  	v13 =	vld [tilespmem:s18+$0xFFFFFF50];
	[tilespmem:v12+s31+$0x0] =	vst.idx.msk $0xffff, v11  }
0xe9: {  	v8 =	vor.u32 s14, v1;
	v9 =	vld [tilespmem:s18+$0xFFFFFF70];
	[tilespmem:v14+s31+$0x0] =	vst.idx.msk $0xffff, v4  }
0xea: {  	v11 =	vor.u32 s7, v1;
	v12 =	vld [tilespmem:s28+$0xFFFFFFA0];
	[tilespmem:v6+s31+$0x0] =	vst.idx.msk $0xffff, v5  }
0xeb: {  	v4 =	vor.u32 s15, v2;
	v6 =	vld [tilespmem:s28+$0x0];
	[tilespmem:v10+s31+$0x0] =	vst.idx.msk $0xffff, v7  }
0xec: {  	v14 =	vor.u32 s12, v2;
	v7 =	vld [tilespmem:s28+$0xFFFFFFC0];
	[tilespmem:v16+s31+$0x0] =	vst.idx.msk $0xffff, v15  }
0xed: {  	v16 =	vor.u32 s21, v2;
	v15 =	vld [tilespmem:s28+$0xFFFFFF20]  }
0xee: {  	v10 =	vor.u32 s29, v2;
	v5 =	vld [tilespmem:s28+$0xFFFFFFE0];
	[tilespmem:v8+s31+$0x0] =	vst.idx.msk $0xffff, v13  }
0xef: {  	v17 =	vor.u32 s14, v2;
	[tilespmem:v11+s31+$0x0] =	vst.idx.msk $0xffff, v9;
	v13 =	vld [tilespmem:s28+$0xFFFFFF60]  }
0xf0: {  	v18 =	vor.u32 s22, v2;
	v11 =	vld [tilespmem:s28+$0xFFFFFF40];
	[tilespmem:v4+s31+$0x0] =	vst.idx.msk $0xffff, v12  }
0xf1: {  	v19 =	vor.u32 s7, v2;
	v12 =	vld [tilespmem:s28+$0xFFFFFF80];
	[tilespmem:v14+s31+$0x0] =	vst.idx.msk $0xffff, v6  }
0xf2: {  	v9 =	vld [tilespmem:s18+$0xFFFFFFA0];
	[tilespmem:v16+s31+$0x0] =	vst.idx.msk $0xffff, v15;
	v15 =	vor.u32 s23, v2  }
0xf3: {  	[tilespmem:v10+s31+$0x0] =	vst.idx.msk $0xffff, v7;
	v14 =	vor.u32 s15, v3;
	v8 =	vld [tilespmem:s18+$0x0]  }
0xf4: {  	v6 =	vld [tilespmem:s18+$0xFFFFFFC0];
	[tilespmem:v17+s31+$0x0] =	vst.idx.msk $0xffff, v13;
	v13 =	vor.u32 s12, v3  }
0xf5: {  	s11 =	simm.s32 $0x0;
	[tilespmem:v18+s31+$0x0] =	vst.idx.msk $0xffff, v11;
	v11 =	vor.u32 s14, v3;
	v10 =	vld [tilespmem:s18+$0xFFFFFF60]  }
0xf6: {  	v4 =	vor.u32 s21, v3;
	s15 =	simm.s32 $0x3AF0;
	s14 =	simm.s32 $0x8AF0;
	[tilespmem:v19+s31+$0x0] =	vst.idx.msk $0xffff, v12;
	v12 =	vor.u32 s29, v3;
	s12 =	simm.s32 $0x3C0;
	v7 =	vld [tilespmem:s18+$0xFFFFFF20]  }
.LBB2_7:
0xf7: {  	s29 =	sadd.s32 $0xFFFFFE40, s12;
	s8 =	sadd.s32 $0xFFFFFE80, s12;
	s21 =	sadd.s32 $0xFFFFFEC0, s12;
	v16 =	vld [tilespmem:s18+$0xFFFFFF40];
	[tilespmem:v15+s31+$0x0] =	vst.idx.msk $0xffff, v5;
	v5 =	vor.u32 s23, v3;
	v18 =	vor.u32 s22, v3  }
0xf8: {  	s11 =	sadd.s32 $0x8, s11;
	v15 =	vor.u32 s8, v0;
	v17 =	vor.u32 s21, v0;
	[tilespmem:v14+s31+$0x0] =	vst.idx.msk $0xffff, v9;
	v9 =	vld [tilespmem:s18+$0xFFFFFFE0];
	s22 =	smov.u32 s8  }
0xf9: {  	s23 =	sadd.s32 $0xFFFFFFC0, s12;
	v20 =	vor.u32 s7, v3;
	v14 =	vor.u32 s12, v0;
	p2 =	slt.u32 s11, $0x78;
	v19 =	vld [tilespmem:s18+$0xFFFFFF80];
	[tilespmem:v13+s31+$0x0] =	vst.idx.msk $0xffff, v8;
	s18 =	smov.u32 s14  }
0xfa: {  	s28 =	sadd.s32 $0xFFFFFF80, s12;
	v22 =	vor.u32 s23, v0;
	v8 =	vor.u32 s29, v0;
	v13 =	vor.u32 s29, v3;
	v21 =	vld [tilespmem:s15+$0xFFFFFFB0];
	[tilespmem:v11+s31+$0x0] =	vst.idx.msk $0xffff, v10  }
0xfb: {  	s8 =	sadd.s32 $0xFFFFFF40, s12;
	v10 =	vor.u32 s28, v0;
	v11 =	vld [tilespmem:s15+$0xFFFFFFD0];
	[tilespmem:v12+s31+$0x0] =	vst.idx.msk $0xffff, v6  }
0xfc: {  	v6 =	vor.u32 s8, v0;
	v12 =	vld [tilespmem:s15+$0xFFFFFFF0];
	[tilespmem:v4+s31+$0x0] =	vst.idx.msk $0xffff, v7;
	v4 =	vmov v13  }
0xfd: {  	v7 =	vld [tilespmem:s15+$0xFFFFFF10];
	[tilespmem:v5+s31+$0x0] =	vst.idx.msk $0xffff, v9  }
0xfe: {  	v5 =	vld [tilespmem:s15+$0xFFFFFF90];
	[tilespmem:v20+s31+$0x0] =	vst.idx.msk $0xffff, v19  }
0xff: {  	v9 =	vld [tilespmem:s15+$0xFFFFFF50];
	[tilespmem:v18+s31+$0x0] =	vst.idx.msk $0xffff, v16  }
0x100: {  	s7 =	sadd.s32 $0xFFFFFF00, s12;
	v13 =	vld [tilespmem:s15+$0xFFFFFF30];
	[tilespmem:v22+s31+$0x0] =	vst.idx.msk $0xffff, v11  }
0x101: {  	v16 =	vor.u32 s7, v0;
	v11 =	vld [tilespmem:s15+$0xFFFFFF70];
	[tilespmem:v14+s31+$0x0] =	vst.idx.msk $0xffff, v12  }
0x102: {  	[tilespmem:v10+s31+$0x0] =	vst.idx.msk $0xffff, v21;
	v10 =	vld [tilespmem:s14+$0xFFFFFFF0]  }
0x103: {  	[tilespmem:v6+s31+$0x0] =	vst.idx.msk $0xffff, v5;
	v5 =	vld [tilespmem:s14+$0xFFFFFFB0];
	v6 =	vor.u32 s28, v1  }
0x104: {  	v12 =	vor.u32 s8, v1;
	[tilespmem:v17+s31+$0x0] =	vst.idx.msk $0xffff, v9;
	v9 =	vld [tilespmem:s14+$0xFFFFFF90]  }
0x105: {  	v14 =	vor.u32 s12, v1;
	[tilespmem:v15+s31+$0x0] =	vst.idx.msk $0xffff, v13;
	v13 =	vld [tilespmem:s14+$0xFFFFFF50]  }
0x106: {  	v15 =	vor.u32 s23, v1;
	[tilespmem:v16+s31+$0x0] =	vst.idx.msk $0xffff, v11;
	v11 =	vld [tilespmem:s14+$0xFFFFFFD0]  }
0x107: {  	[tilespmem:v8+s31+$0x0] =	vst.idx.msk $0xffff, v7;
	v7 =	vld [tilespmem:s14+$0xFFFFFF30];
	v8 =	vor.u32 s22, v1  }
0x108: {  	v17 =	vor.u32 s29, v1;
	v16 =	vld [tilespmem:s14+$0xFFFFFF10];
	[tilespmem:v6+s31+$0x0] =	vst.idx.msk $0xffff, v5  }
0x109: {  	v6 =	vor.u32 s21, v1;
	v18 =	vld [tilespmem:s14+$0xFFFFFF70];
	[tilespmem:v12+s31+$0x0] =	vst.idx.msk $0xffff, v9  }
0x10a: {  	v9 =	vor.u32 s7, v1;
	v12 =	vld [tilespmem:s15+$0xFFFFFFA0];
	[tilespmem:v14+s31+$0x0] =	vst.idx.msk $0xffff, v10  }
0x10b: {  	v10 =	vor.u32 s8, v2;
	[tilespmem:v15+s31+$0x0] =	vst.idx.msk $0xffff, v11;
	v11 =	vld [tilespmem:s15+$0x0]  }
0x10c: {  	[tilespmem:v8+s31+$0x0] =	vst.idx.msk $0xffff, v7;
	v7 =	vld [tilespmem:s15+$0xFFFFFFC0];
	v8 =	vor.u32 s28, v2  }
0x10d: {  	v14 =	vor.u32 s12, v2;
	[tilespmem:v17+s31+$0x0] =	vst.idx.msk $0xffff, v16;
	v5 =	vld [tilespmem:s15+$0xFFFFFFE0]  }
0x10e: {  	v17 =	vor.u32 s29, v2;
	v16 =	vld [tilespmem:s15+$0xFFFFFF20];
	[tilespmem:v6+s31+$0x0] =	vst.idx.msk $0xffff, v13  }
0x10f: {  	v13 =	vor.u32 s21, v2;
	v6 =	vld [tilespmem:s15+$0xFFFFFF60];
	[tilespmem:v9+s31+$0x0] =	vst.idx.msk $0xffff, v18  }
0x110: {  	v19 =	vor.u32 s22, v2;
	v18 =	vld [tilespmem:s15+$0xFFFFFF40];
	[tilespmem:v10+s31+$0x0] =	vst.idx.msk $0xffff, v12  }
0x111: {  	v20 =	vor.u32 s7, v2;
	v12 =	vld [tilespmem:s15+$0xFFFFFF80];
	[tilespmem:v8+s31+$0x0] =	vst.idx.msk $0xffff, v7  }
.Ltmp2:
0x112: {  	v15 =	vor.u32 s23, v2;
	v9 =	vld [tilespmem:s14+$0xFFFFFFA0];
	[tilespmem:v14+s31+$0x0] =	vst.idx.msk $0xffff, v11;
	(pc) =	sbr.rel @p2 .LBB2_7-.Ltmp2, $4  }
0x113: {  	v14 =	vor.u32 s8, v3;
	[tilespmem:v17+s31+$0x0] =	vst.idx.msk $0xffff, v16;
	v8 =	vld [tilespmem:s14+$0x0]  }
0x114: {  	[tilespmem:v13+s31+$0x0] =	vst.idx.msk $0xffff, v6;
	v6 =	vld [tilespmem:s14+$0xFFFFFFC0];
	v13 =	vor.u32 s12, v3  }
0x115: {  	v11 =	vor.u32 s21, v3;
	[tilespmem:v19+s31+$0x0] =	vst.idx.msk $0xffff, v18;
	v10 =	vld [tilespmem:s14+$0xFFFFFF60]  }
0x116: {  	s15 =	sadd.s32 $0x100, s15;
	s12 =	sadd.s32 $0x200, s12;
	s14 =	sadd.s32 $0x100, s14;
	v7 =	vld [tilespmem:s18+$0xFFFFFF20];
	[tilespmem:v20+s31+$0x0] =	vst.idx.msk $0xffff, v12;
	v12 =	vor.u32 s28, v3  }
0x117: {  	_ =	sdelay $0x3  }
0x118: {  	[tilespmem:v15+s31+$0x0] =	vst.idx.msk $0xffff, v5  }
0x119: {  	[tilespmem:v14+s31+$0x0] =	vst.idx.msk $0xffff, v9;
	v14 =	vld [tilespmem:s18+$0xFFFFFF80];
	v15 =	vor.u32 s7, v3  }
0x11a: {  	v5 =	vor.u32 s23, v3;
	v9 =	vld [tilespmem:s18+$0xFFFFFFE0];
	[tilespmem:v13+s31+$0x0] =	vst.idx.msk $0xffff, v8  }
0x11b: {  	v8 =	vld [tilespmem:s18+$0xFFFFFF40];
	v13 =	vor.u32 s22, v3;
	[tilespmem:v12+s31+$0x0] =	vst.idx.msk $0xffff, v6  }
0x11c: {  	[tilespmem:v11+s31+$0x0] =	vst.idx.msk $0xffff, v10  }
0x11d: {  	[tilespmem:v4+s31+$0x0] =	vst.idx.msk $0xffff, v7  }
0x11e: {  	[tilespmem:v15+s31+$0x0] =	vst.idx.msk $0xffff, v14  }
0x11f: {  	[tilespmem:v5+s31+$0x0] =	vst.idx.msk $0xffff, v9  }
0x120: {  	s7 =	sadd.s32 @!p1 $0x300, s20;
	s8 =	simm.s32 @!p1 $0x80;
	s11 =	simm.s32 @!p1 $0x2900;
	[tilespmem:v13+s31+$0x0] =	vst.idx.msk $0xffff, v8  }
0x121: {  	[tilespmem:s11], [sflag:$0x1] =	stream.indirect.gather @!p1 [hbm4b:s3+s8], $0x20, s7, s8, $0xb8;
	[tilespmem:$0x15900] =	vst v63  }
0x122: {  	s11 =	simm.s32 @!p1 $0x7900;
	s23 =	rddreg [dreg:$0x5]  }
0x123: {  	[tilespmem:s11], [sflag:$0x2] =	stream.indirect.gather @!p1 [hbm4b:s4+s8], $0x20, s7, s8, $0xb8;
	[tilespmem:$0x15900] =	vst v63  }
0x124: {  	s7 =	sadd.s32 s23, s19  }
0x125: {  	s7 =	sshrl.u32 s7, $0x3  }
0x126: {  	s7 =	sadd.s32 s6, s7  }
0x127: {  	[hbm4b:s7+s2] =	stream.linear.scatter [tilespmem:s31], [sflag:$0x3], $0x2000, $0x38;
	[tilespmem:$0x15900] =	vst v63  }
0x128: {  	_ =	swait.ge [sflag:s24], $0x1000  }
0x129: {  	[sflag:s24] =	ssyncset.done $0x0  }
0x12a: {  	[sflag:s24] =	ssyncadd.s32 $0xFFFFF000  }
0x12b: {  	_ =	swait.ge [sflag:s25], $0x1000  }
0x12c: {  	[sflag:s25] =	ssyncset.done $0x0  }
0x12d: {  	s7 =	simm.s32 @!p0 $0x3;
	[sflag:s25] =	ssyncadd.s32 $0xFFFFF000  }
0x12e: {  	_ =	swait.ge @!p0 [sflag:s7], $0x2000  }
0x12f: {  	[sflag:s7] =	ssyncset.done @!p0 $0x0  }
0x130: {  	s28 =	simm.s32 $0x49F0;
	s23 =	simm.s32 $0x180;
	[sflag:s7] =	ssyncadd.s32 @!p0 $0xFFFFE000  }
0x131: {  	s12 =	simm.s32 $0x1C0;
	v5 =	vor.u32 s23, v0;
	v6 =	vld [tilespmem:s28+$0xFFFFFFD0]  }
0x132: {  	s29 =	simm.s32 $0x140;
	v7 =	vor.u32 s12, v0;
	v8 =	vld [tilespmem:s28+$0xFFFFFFF0]  }
0x133: {  	s15 =	simm.s32 $0x100;
	v9 =	vor.u32 s29, v0;
	v4 =	vld [tilespmem:s28+$0xFFFFFFB0]  }
0x134: {  	s14 =	simm.s32 $0x80;
	v11 =	vor.u32 s15, v0;
	v12 =	vld [tilespmem:s28+$0xFFFFFF90]  }
0x135: {  	s22 =	simm.s32 $0x40;
	v13 =	vor.u32 s14, v0;
	v14 =	vld [tilespmem:s28+$0xFFFFFF50]  }
0x136: {  	v15 =	vor.u32 s22, v0;
	s7 =	simm.s32 $0xC0;
	v16 =	vld [tilespmem:s28+$0xFFFFFF30];
	[tilespmem:v5+s0+$0x0] =	vst.idx.msk $0xffff, v6  }
0x137: {  	s21 =	simm.s32 $0x0;
	v5 =	vld [tilespmem:s28+$0xFFFFFF70];
	v6 =	vor.u32 s7, v0;
	[tilespmem:v7+s0+$0x0] =	vst.idx.msk $0xffff, v8  }
0x138: {  	s18 =	simm.s32 $0x99F0;
	v10 =	vld [tilespmem:s28+$0xFFFFFF10];
	v7 =	vor.u32 s21, v0;
	[tilespmem:v9+s0+$0x0] =	vst.idx.msk $0xffff, v4  }
0x139: {  	[tilespmem:v11+s0+$0x0] =	vst.idx.msk $0xffff, v12;
	v9 =	vor.u32 s29, v1;
	v8 =	vld [tilespmem:s18+$0xFFFFFFB0]  }
0x13a: {  	[tilespmem:v13+s0+$0x0] =	vst.idx.msk $0xffff, v14;
	v12 =	vor.u32 s15, v1;
	v11 =	vld [tilespmem:s18+$0xFFFFFF90]  }
0x13b: {  	[tilespmem:v15+s0+$0x0] =	vst.idx.msk $0xffff, v16;
	v14 =	vor.u32 s12, v1;
	v4 =	vld [tilespmem:s18+$0xFFFFFFF0]  }
0x13c: {  	[tilespmem:v6+s0+$0x0] =	vst.idx.msk $0xffff, v5;
	v5 =	vld [tilespmem:s18+$0xFFFFFFD0];
	v6 =	vor.u32 s23, v1  }
0x13d: {  	[tilespmem:v7+s0+$0x0] =	vst.idx.msk $0xffff, v10;
	v7 =	vld [tilespmem:s18+$0xFFFFFF30];
	v10 =	vor.u32 s22, v1  }
0x13e: {  	v16 =	vor.u32 s21, v1;
	v15 =	vld [tilespmem:s18+$0xFFFFFF10];
	[tilespmem:v9+s0+$0x0] =	vst.idx.msk $0xffff, v8  }
0x13f: {  	v13 =	vld [tilespmem:s18+$0xFFFFFF50];
	[tilespmem:v12+s0+$0x0] =	vst.idx.msk $0xffff, v11  }
0x140: {  	v8 =	vor.u32 s14, v1;
	v9 =	vld [tilespmem:s18+$0xFFFFFF70];
	[tilespmem:v14+s0+$0x0] =	vst.idx.msk $0xffff, v4  }
0x141: {  	v11 =	vor.u32 s7, v1;
	v12 =	vld [tilespmem:s28+$0xFFFFFFA0];
	[tilespmem:v6+s0+$0x0] =	vst.idx.msk $0xffff, v5  }
0x142: {  	v4 =	vor.u32 s15, v2;
	v6 =	vld [tilespmem:s28+$0x0];
	[tilespmem:v10+s0+$0x0] =	vst.idx.msk $0xffff, v7  }
0x143: {  	v14 =	vor.u32 s12, v2;
	v7 =	vld [tilespmem:s28+$0xFFFFFFC0];
	[tilespmem:v16+s0+$0x0] =	vst.idx.msk $0xffff, v15  }
0x144: {  	v16 =	vor.u32 s21, v2;
	v15 =	vld [tilespmem:s28+$0xFFFFFF20]  }
0x145: {  	v10 =	vor.u32 s29, v2;
	v5 =	vld [tilespmem:s28+$0xFFFFFFE0];
	[tilespmem:v8+s0+$0x0] =	vst.idx.msk $0xffff, v13  }
0x146: {  	v17 =	vor.u32 s14, v2;
	[tilespmem:v11+s0+$0x0] =	vst.idx.msk $0xffff, v9;
	v13 =	vld [tilespmem:s28+$0xFFFFFF60]  }
0x147: {  	v18 =	vor.u32 s22, v2;
	v11 =	vld [tilespmem:s28+$0xFFFFFF40];
	[tilespmem:v4+s0+$0x0] =	vst.idx.msk $0xffff, v12  }
0x148: {  	v19 =	vor.u32 s7, v2;
	v12 =	vld [tilespmem:s28+$0xFFFFFF80];
	[tilespmem:v14+s0+$0x0] =	vst.idx.msk $0xffff, v6  }
0x149: {  	v9 =	vld [tilespmem:s18+$0xFFFFFFA0];
	[tilespmem:v16+s0+$0x0] =	vst.idx.msk $0xffff, v15;
	v15 =	vor.u32 s23, v2  }
0x14a: {  	[tilespmem:v10+s0+$0x0] =	vst.idx.msk $0xffff, v7;
	v14 =	vor.u32 s15, v3;
	v8 =	vld [tilespmem:s18+$0x0]  }
0x14b: {  	v6 =	vld [tilespmem:s18+$0xFFFFFFC0];
	[tilespmem:v17+s0+$0x0] =	vst.idx.msk $0xffff, v13;
	v13 =	vor.u32 s12, v3  }
0x14c: {  	s11 =	simm.s32 $0x0;
	[tilespmem:v18+s0+$0x0] =	vst.idx.msk $0xffff, v11;
	v11 =	vor.u32 s14, v3;
	v10 =	vld [tilespmem:s18+$0xFFFFFF60]  }
0x14d: {  	v4 =	vor.u32 s21, v3;
	s15 =	simm.s32 $0x4AF0;
	s14 =	simm.s32 $0x9AF0;
	[tilespmem:v19+s0+$0x0] =	vst.idx.msk $0xffff, v12;
	v12 =	vor.u32 s29, v3;
	s12 =	simm.s32 $0x3C0;
	v7 =	vld [tilespmem:s18+$0xFFFFFF20]  }
.LBB2_9:
0x14e: {  	s29 =	sadd.s32 $0xFFFFFE40, s12;
	s8 =	sadd.s32 $0xFFFFFE80, s12;
	s21 =	sadd.s32 $0xFFFFFEC0, s12;
	v16 =	vld [tilespmem:s18+$0xFFFFFF40];
	[tilespmem:v15+s0+$0x0] =	vst.idx.msk $0xffff, v5;
	v5 =	vor.u32 s23, v3;
	v18 =	vor.u32 s22, v3  }
0x14f: {  	s11 =	sadd.s32 $0x8, s11;
	v15 =	vor.u32 s8, v0;
	v17 =	vor.u32 s21, v0;
	[tilespmem:v14+s0+$0x0] =	vst.idx.msk $0xffff, v9;
	v9 =	vld [tilespmem:s18+$0xFFFFFFE0];
	s22 =	smov.u32 s8  }
0x150: {  	s23 =	sadd.s32 $0xFFFFFFC0, s12;
	v20 =	vor.u32 s7, v3;
	v14 =	vor.u32 s12, v0;
	p2 =	slt.u32 s11, $0x78;
	v19 =	vld [tilespmem:s18+$0xFFFFFF80];
	[tilespmem:v13+s0+$0x0] =	vst.idx.msk $0xffff, v8;
	s18 =	smov.u32 s14  }
0x151: {  	s28 =	sadd.s32 $0xFFFFFF80, s12;
	v22 =	vor.u32 s23, v0;
	v8 =	vor.u32 s29, v0;
	v13 =	vor.u32 s29, v3;
	v21 =	vld [tilespmem:s15+$0xFFFFFFB0];
	[tilespmem:v11+s0+$0x0] =	vst.idx.msk $0xffff, v10  }
0x152: {  	s8 =	sadd.s32 $0xFFFFFF40, s12;
	v10 =	vor.u32 s28, v0;
	v11 =	vld [tilespmem:s15+$0xFFFFFFD0];
	[tilespmem:v12+s0+$0x0] =	vst.idx.msk $0xffff, v6  }
0x153: {  	v6 =	vor.u32 s8, v0;
	v12 =	vld [tilespmem:s15+$0xFFFFFFF0];
	[tilespmem:v4+s0+$0x0] =	vst.idx.msk $0xffff, v7;
	v4 =	vmov v13  }
0x154: {  	v7 =	vld [tilespmem:s15+$0xFFFFFF10];
	[tilespmem:v5+s0+$0x0] =	vst.idx.msk $0xffff, v9  }
0x155: {  	v5 =	vld [tilespmem:s15+$0xFFFFFF90];
	[tilespmem:v20+s0+$0x0] =	vst.idx.msk $0xffff, v19  }
0x156: {  	v9 =	vld [tilespmem:s15+$0xFFFFFF50];
	[tilespmem:v18+s0+$0x0] =	vst.idx.msk $0xffff, v16  }
0x157: {  	s7 =	sadd.s32 $0xFFFFFF00, s12;
	v13 =	vld [tilespmem:s15+$0xFFFFFF30];
	[tilespmem:v22+s0+$0x0] =	vst.idx.msk $0xffff, v11  }
0x158: {  	v16 =	vor.u32 s7, v0;
	v11 =	vld [tilespmem:s15+$0xFFFFFF70];
	[tilespmem:v14+s0+$0x0] =	vst.idx.msk $0xffff, v12  }
0x159: {  	[tilespmem:v10+s0+$0x0] =	vst.idx.msk $0xffff, v21;
	v10 =	vld [tilespmem:s14+$0xFFFFFFF0]  }
0x15a: {  	[tilespmem:v6+s0+$0x0] =	vst.idx.msk $0xffff, v5;
	v5 =	vld [tilespmem:s14+$0xFFFFFFB0];
	v6 =	vor.u32 s28, v1  }
0x15b: {  	v12 =	vor.u32 s8, v1;
	[tilespmem:v17+s0+$0x0] =	vst.idx.msk $0xffff, v9;
	v9 =	vld [tilespmem:s14+$0xFFFFFF90]  }
0x15c: {  	v14 =	vor.u32 s12, v1;
	[tilespmem:v15+s0+$0x0] =	vst.idx.msk $0xffff, v13;
	v13 =	vld [tilespmem:s14+$0xFFFFFF50]  }
0x15d: {  	v15 =	vor.u32 s23, v1;
	[tilespmem:v16+s0+$0x0] =	vst.idx.msk $0xffff, v11;
	v11 =	vld [tilespmem:s14+$0xFFFFFFD0]  }
0x15e: {  	[tilespmem:v8+s0+$0x0] =	vst.idx.msk $0xffff, v7;
	v7 =	vld [tilespmem:s14+$0xFFFFFF30];
	v8 =	vor.u32 s22, v1  }
0x15f: {  	v17 =	vor.u32 s29, v1;
	v16 =	vld [tilespmem:s14+$0xFFFFFF10];
	[tilespmem:v6+s0+$0x0] =	vst.idx.msk $0xffff, v5  }
0x160: {  	v6 =	vor.u32 s21, v1;
	v18 =	vld [tilespmem:s14+$0xFFFFFF70];
	[tilespmem:v12+s0+$0x0] =	vst.idx.msk $0xffff, v9  }
0x161: {  	v9 =	vor.u32 s7, v1;
	v12 =	vld [tilespmem:s15+$0xFFFFFFA0];
	[tilespmem:v14+s0+$0x0] =	vst.idx.msk $0xffff, v10  }
0x162: {  	v10 =	vor.u32 s8, v2;
	[tilespmem:v15+s0+$0x0] =	vst.idx.msk $0xffff, v11;
	v11 =	vld [tilespmem:s15+$0x0]  }
0x163: {  	[tilespmem:v8+s0+$0x0] =	vst.idx.msk $0xffff, v7;
	v7 =	vld [tilespmem:s15+$0xFFFFFFC0];
	v8 =	vor.u32 s28, v2  }
0x164: {  	v14 =	vor.u32 s12, v2;
	[tilespmem:v17+s0+$0x0] =	vst.idx.msk $0xffff, v16;
	v5 =	vld [tilespmem:s15+$0xFFFFFFE0]  }
0x165: {  	v17 =	vor.u32 s29, v2;
	v16 =	vld [tilespmem:s15+$0xFFFFFF20];
	[tilespmem:v6+s0+$0x0] =	vst.idx.msk $0xffff, v13  }
0x166: {  	v13 =	vor.u32 s21, v2;
	v6 =	vld [tilespmem:s15+$0xFFFFFF60];
	[tilespmem:v9+s0+$0x0] =	vst.idx.msk $0xffff, v18  }
0x167: {  	v19 =	vor.u32 s22, v2;
	v18 =	vld [tilespmem:s15+$0xFFFFFF40];
	[tilespmem:v10+s0+$0x0] =	vst.idx.msk $0xffff, v12  }
0x168: {  	v20 =	vor.u32 s7, v2;
	v12 =	vld [tilespmem:s15+$0xFFFFFF80];
	[tilespmem:v8+s0+$0x0] =	vst.idx.msk $0xffff, v7  }
.Ltmp3:
0x169: {  	v15 =	vor.u32 s23, v2;
	v9 =	vld [tilespmem:s14+$0xFFFFFFA0];
	[tilespmem:v14+s0+$0x0] =	vst.idx.msk $0xffff, v11;
	(pc) =	sbr.rel @p2 .LBB2_9-.Ltmp3, $4  }
0x16a: {  	v14 =	vor.u32 s8, v3;
	[tilespmem:v17+s0+$0x0] =	vst.idx.msk $0xffff, v16;
	v8 =	vld [tilespmem:s14+$0x0]  }
0x16b: {  	[tilespmem:v13+s0+$0x0] =	vst.idx.msk $0xffff, v6;
	v6 =	vld [tilespmem:s14+$0xFFFFFFC0];
	v13 =	vor.u32 s12, v3  }
0x16c: {  	v11 =	vor.u32 s21, v3;
	[tilespmem:v19+s0+$0x0] =	vst.idx.msk $0xffff, v18;
	v10 =	vld [tilespmem:s14+$0xFFFFFF60]  }
0x16d: {  	s15 =	sadd.s32 $0x100, s15;
	s12 =	sadd.s32 $0x200, s12;
	s14 =	sadd.s32 $0x100, s14;
	v7 =	vld [tilespmem:s18+$0xFFFFFF20];
	[tilespmem:v20+s0+$0x0] =	vst.idx.msk $0xffff, v12;
	v12 =	vor.u32 s28, v3  }
0x16e: {  	_ =	sdelay $0x3  }
0x16f: {  	[tilespmem:v15+s0+$0x0] =	vst.idx.msk $0xffff, v5  }
0x170: {  	[tilespmem:v14+s0+$0x0] =	vst.idx.msk $0xffff, v9;
	v14 =	vld [tilespmem:s18+$0xFFFFFF80];
	v15 =	vor.u32 s7, v3  }
0x171: {  	v5 =	vor.u32 s23, v3;
	v9 =	vld [tilespmem:s18+$0xFFFFFFE0];
	[tilespmem:v13+s0+$0x0] =	vst.idx.msk $0xffff, v8  }
0x172: {  	v8 =	vld [tilespmem:s18+$0xFFFFFF40];
	v13 =	vor.u32 s22, v3;
	[tilespmem:v12+s0+$0x0] =	vst.idx.msk $0xffff, v6  }
0x173: {  	[tilespmem:v11+s0+$0x0] =	vst.idx.msk $0xffff, v10  }
0x174: {  	[tilespmem:v4+s0+$0x0] =	vst.idx.msk $0xffff, v7  }
0x175: {  	[tilespmem:v15+s0+$0x0] =	vst.idx.msk $0xffff, v14  }
0x176: {  	[tilespmem:v5+s0+$0x0] =	vst.idx.msk $0xffff, v9  }
0x177: {  	s7 =	sadd.s32 @!p1 $0x380, s20;
	s8 =	simm.s32 @!p1 $0x80;
	s11 =	simm.s32 @!p1 $0x3900;
	[tilespmem:v13+s0+$0x0] =	vst.idx.msk $0xffff, v8  }
0x178: {  	[tilespmem:s11], [sflag:$0x1] =	stream.indirect.gather @!p1 [hbm4b:s3+s8], $0x20, s7, s8, $0xb8;
	[tilespmem:$0x15900] =	vst v63  }
0x179: {  	s11 =	simm.s32 @!p1 $0x8900;
	s23 =	rddreg [dreg:$0x6]  }
0x17a: {  	[tilespmem:s11], [sflag:$0x2] =	stream.indirect.gather @!p1 [hbm4b:s4+s8], $0x20, s7, s8, $0xb8;
	[tilespmem:$0x15900] =	vst v63  }
0x17b: {  	s7 =	sadd.s32 s23, s19  }
0x17c: {  	s7 =	sshrl.u32 s7, $0x3  }
0x17d: {  	s7 =	sadd.s32 s6, s7  }
0x17e: {  	[hbm4b:s7+s2] =	stream.linear.scatter [tilespmem:s0], [sflag:$0x3], $0x2000, $0x38;
	[tilespmem:$0x15900] =	vst v63  }
0x17f: {  	_ =	swait.ge [sflag:s24], $0x1000  }
0x180: {  	[sflag:s24] =	ssyncset.done $0x0  }
0x181: {  	[sflag:s24] =	ssyncadd.s32 $0xFFFFF000  }
0x182: {  	_ =	swait.ge [sflag:s25], $0x1000  }
0x183: {  	[sflag:s25] =	ssyncset.done $0x0  }
0x184: {  	s7 =	simm.s32 @!p0 $0x3;
	[sflag:s25] =	ssyncadd.s32 $0xFFFFF000  }
0x185: {  	_ =	swait.ge @!p0 [sflag:s7], $0x2000  }
0x186: {  	[sflag:s7] =	ssyncset.done @!p0 $0x0  }
0x187: {  	s19 =	simm.s32 $0x0;
	[sflag:s7] =	ssyncadd.s32 @!p0 $0xFFFFE000  }
0x188: {  	v4 =	vld [tilespmem:s19+$0x5980]  }
0x189: {  	s29 =	simm.s32 $0x100;
	v5 =	vld [tilespmem:s19+$0x5920]  }
0x18a: {  	s18 =	simm.s32 $0x140;
	v6 =	vor.u32 s29, v0;
	v7 =	vld [tilespmem:s19+$0x59A0]  }
0x18b: {  	v8 =	vor.u32 s18, v0;
	s23 =	simm.s32 $0x40;
	v9 =	vld [tilespmem:s19+$0x5940]  }
0x18c: {  	s22 =	simm.s32 $0x1C0;
	v10 =	vor.u32 s23, v0;
	v11 =	vld [tilespmem:s19+$0x59E0]  }
0x18d: {  	v12 =	vor.u32 s22, v0;
	s7 =	simm.s32 $0x0;
	v13 =	vld [tilespmem:s19+$0x59C0]  }
0x18e: {  	s12 =	simm.s32 $0x180;
	v14 =	vor.u32 s7, v0;
	v15 =	vld [tilespmem:s19+$0x5900]  }
0x18f: {  	s11 =	simm.s32 $0x80;
	v16 =	vld [tilespmem:s19+$0x5960];
	[tilespmem:v6+s1+$0x0] =	vst.idx.msk $0xffff, v4;
	v4 =	vor.u32 s12, v0  }
0x190: {  	s21 =	simm.s32 $0xC0;
	v6 =	vor.u32 s11, v0;
	[tilespmem:v8+s1+$0x0] =	vst.idx.msk $0xffff, v7;
	v17 =	vld [tilespmem:s19+$0xA980]  }
0x191: {  	v7 =	vor.u32 s21, v0;
	[tilespmem:v10+s1+$0x0] =	vst.idx.msk $0xffff, v5;
	v8 =	vld [tilespmem:s19+$0xA9A0]  }
0x192: {  	v10 =	vor.u32 s23, v1;
	[tilespmem:v12+s1+$0x0] =	vst.idx.msk $0xffff, v11;
	v5 =	vld [tilespmem:s19+$0xA920]  }
0x193: {  	[tilespmem:v14+s1+$0x0] =	vst.idx.msk $0xffff, v15;
	v11 =	vor.u32 s29, v1;
	v12 =	vld [tilespmem:s19+$0xA9E0]  }
0x194: {  	v15 =	vor.u32 s7, v1;
	v14 =	vld [tilespmem:s19+$0xA900];
	[tilespmem:v4+s1+$0x0] =	vst.idx.msk $0xffff, v13  }
0x195: {  	[tilespmem:v6+s1+$0x0] =	vst.idx.msk $0xffff, v9;
	v6 =	vor.u32 s22, v1;
	v4 =	vld [tilespmem:s19+$0xA9C0]  }
0x196: {  	[tilespmem:v7+s1+$0x0] =	vst.idx.msk $0xffff, v16;
	v13 =	vor.u32 s12, v1;
	v9 =	vld [tilespmem:s19+$0xA940]  }
0x197: {  	[tilespmem:v10+s1+$0x0] =	vst.idx.msk $0xffff, v5;
	v10 =	vor.u32 s11, v1;
	v7 =	vld [tilespmem:s19+$0xA960]  }
0x198: {  	v18 =	vor.u32 s18, v1;
	[tilespmem:v11+s1+$0x0] =	vst.idx.msk $0xffff, v17;
	v5 =	vld [tilespmem:s19+$0x5930]  }
0x199: {  	v19 =	vor.u32 s29, v2;
	[tilespmem:v15+s1+$0x0] =	vst.idx.msk $0xffff, v14;
	v17 =	vld [tilespmem:s19+$0x5990]  }
0x19a: {  	v21 =	vor.u32 s7, v2;
	v20 =	vld [tilespmem:s19+$0x5910];
	[tilespmem:v6+s1+$0x0] =	vst.idx.msk $0xffff, v12  }
0x19b: {  	v16 =	vor.u32 s21, v1;
	[tilespmem:v13+s1+$0x0] =	vst.idx.msk $0xffff, v4;
	v6 =	vld [tilespmem:s19+$0x59F0]  }
0x19c: {  	v15 =	vor.u32 s12, v2;
	[tilespmem:v10+s1+$0x0] =	vst.idx.msk $0xffff, v9;
	v12 =	vld [tilespmem:s19+$0x59D0]  }
0x19d: {  	[tilespmem:v18+s1+$0x0] =	vst.idx.msk $0xffff, v8;
	v14 =	vor.u32 s11, v2;
	v11 =	vld [tilespmem:s19+$0x5950]  }
0x19e: {  	v9 =	vld [tilespmem:s19+$0x59B0];
	v13 =	vor.u32 s18, v2;
	[tilespmem:v19+s1+$0x0] =	vst.idx.msk $0xffff, v17  }
0x19f: {  	s15 =	simm.s32 $0x0;
	s14 =	simm.s32 $0x400;
	s28 =	simm.s32 $0x3C0;
	v4 =	vor.u32 s23, v2;
	v10 =	vor.u32 s29, v3;
	[tilespmem:v21+s1+$0x0] =	vst.idx.msk $0xffff, v20;
	v8 =	vld [tilespmem:s19+$0xA990]  }
.LBB2_11:
0x1a0: {  	s8 =	sadd.s32 $0xFFFFFE40, s28;
	s9 =	sshra.s32 s14, $0x2;
	s15 =	sadd.s32 $0x8, s15;
	v17 =	vld [tilespmem:s19+$0xA910];
	[tilespmem:v16+s1+$0x0] =	vst.idx.msk $0xffff, v7;
	v18 =	vor.u32 s21, v2  }
0x1a1: {  	s10 =	sadd.s32 $0xFFFFFE80, s28;
	v20 =	vor.u32 s28, v0;
	v7 =	vor.u32 s8, v0;
	p0 =	slt.u32 s15, $0x78;
	v16 =	vld [tilespmem:s19+$0x5970];
	[tilespmem:v15+s1+$0x0] =	vst.idx.msk $0xffff, v12  }
0x1a2: {  	s29 =	sadd.s32 $0xFFFFFEC0, s28;
	v12 =	vor.u32 s10, v0;
	v15 =	vor.u32 s10, v2;
	v19 =	vld [tilespmem:s9+$0x5980];
	[tilespmem:v14+s1+$0x0] =	vst.idx.msk $0xffff, v11;
	v11 =	vor.u32 s22, v2  }
0x1a3: {  	s13 =	sadd.s32 $0xFFFFFF00, s28;
	v22 =	vor.u32 s11, v3;
	s11 =	smov.u32 s29;
	v14 =	vor.u32 s29, v0;
	v21 =	vld [tilespmem:s19+$0xA950];
	[tilespmem:v13+s1+$0x0] =	vst.idx.msk $0xffff, v9  }
0x1a4: {  	s29 =	sadd.s32 $0xFFFFFF40, s28;
	v9 =	vor.u32 s13, v0;
	v13 =	vor.u32 s7, v3;
	s7 =	smov.u32 s8;
	[tilespmem:v10+s1+$0x0] =	vst.idx.msk $0xffff, v8;
	v8 =	vld [tilespmem:s19+$0xA9B0]  }
0x1a5: {  	v23 =	vor.u32 s29, v0;
	v10 =	vld [tilespmem:s9+$0x5920];
	[tilespmem:v4+s1+$0x0] =	vst.idx.msk $0xffff, v5;
	v5 =	vor.u32 s18, v3;
	v4 =	vmov v15  }
0x1a6: {  	[tilespmem:v18+s1+$0x0] =	vst.idx.msk $0xffff, v16;
	v15 =	vld [tilespmem:s19+$0xA9D0];
	v16 =	vor.u32 s12, v3  }
0x1a7: {  	v24 =	vor.u32 s23, v3;
	v25 =	vor.u32 s21, v3;
	s23 =	smov.u32 s10;
	s21 =	smov.u32 s13;
	s18 =	sadd.s32 $0xFFFFFF80, s28;
	v18 =	vld [tilespmem:s19+$0xA930];
	[tilespmem:v11+s1+$0x0] =	vst.idx.msk $0xffff, v6  }
0x1a8: {  	v6 =	vor.u32 s18, v0;
	[tilespmem:v22+s1+$0x0] =	vst.idx.msk $0xffff, v21;
	v11 =	vld [tilespmem:s19+$0xA970];
	v21 =	vor.u32 s22, v3;
	s22 =	smov.u32 s28  }
0x1a9: {  	[tilespmem:v13+s1+$0x0] =	vst.idx.msk $0xffff, v17;
	v13 =	vld [tilespmem:s19+$0xA9F0];
	s19 =	smov.u32 s9  }
0x1aa: {  	v17 =	vld [tilespmem:s19+$0x59A0];
	[tilespmem:v5+s1+$0x0] =	vst.idx.msk $0xffff, v8  }
0x1ab: {  	v5 =	vld [tilespmem:s19+$0x5940];
	[tilespmem:v16+s1+$0x0] =	vst.idx.msk $0xffff, v15  }
0x1ac: {  	v8 =	vld [tilespmem:s19+$0x59E0];
	[tilespmem:v24+s1+$0x0] =	vst.idx.msk $0xffff, v18  }
0x1ad: {  	v15 =	vld [tilespmem:s19+$0x59C0];
	[tilespmem:v25+s1+$0x0] =	vst.idx.msk $0xffff, v11  }
0x1ae: {  	s12 =	sadd.s32 $0xFFFFFFC0, s28;
	v18 =	vor.u32 s18, v1;
	v11 =	vld [tilespmem:s19+$0x5900];
	[tilespmem:v21+s1+$0x0] =	vst.idx.msk $0xffff, v13  }
0x1af: {  	v16 =	vor.u32 s12, v0;
	v13 =	vld [tilespmem:s19+$0x5960];
	[tilespmem:v23+s1+$0x0] =	vst.idx.msk $0xffff, v19  }
0x1b0: {  	v19 =	vld [tilespmem:s19+$0xA980];
	[tilespmem:v6+s1+$0x0] =	vst.idx.msk $0xffff, v17  }
0x1b1: {  	[tilespmem:v12+s1+$0x0] =	vst.idx.msk $0xffff, v10;
	v10 =	vld [tilespmem:s19+$0xA9A0]  }
0x1b2: {  	v12 =	vor.u32 s23, v1;
	v6 =	vld [tilespmem:s19+$0xA920];
	[tilespmem:v20+s1+$0x0] =	vst.idx.msk $0xffff, v8  }
0x1b3: {  	v8 =	vor.u32 s29, v1;
	[tilespmem:v7+s1+$0x0] =	vst.idx.msk $0xffff, v11;
	v11 =	vld [tilespmem:s19+$0xA9E0]  }
0x1b4: {  	v20 =	vor.u32 s7, v1;
	v17 =	vld [tilespmem:s19+$0xA900];
	[tilespmem:v16+s1+$0x0] =	vst.idx.msk $0xffff, v15  }
0x1b5: {  	v15 =	vor.u32 s28, v1;
	[tilespmem:v14+s1+$0x0] =	vst.idx.msk $0xffff, v5;
	v14 =	vld [tilespmem:s19+$0xA9C0]  }
0x1b6: {  	v21 =	vld [tilespmem:s19+$0xA940];
	[tilespmem:v9+s1+$0x0] =	vst.idx.msk $0xffff, v13;
	v9 =	vor.u32 s12, v1  }
0x1b7: {  	[tilespmem:v12+s1+$0x0] =	vst.idx.msk $0xffff, v6;
	v12 =	vor.u32 s11, v1;
	v7 =	vld [tilespmem:s19+$0xA960]  }
0x1b8: {  	v5 =	vld [tilespmem:s19+$0x5930];
	[tilespmem:v8+s1+$0x0] =	vst.idx.msk $0xffff, v19  }
0x1b9: {  	v13 =	vor.u32 s29, v2;
	[tilespmem:v20+s1+$0x0] =	vst.idx.msk $0xffff, v17;
	v8 =	vld [tilespmem:s19+$0x5990]  }
0x1ba: {  	v19 =	vor.u32 s7, v2;
	v17 =	vld [tilespmem:s19+$0x5910];
	[tilespmem:v15+s1+$0x0] =	vst.idx.msk $0xffff, v11  }
.Ltmp4:
0x1bb: {  	v16 =	vor.u32 s21, v1;
	[tilespmem:v9+s1+$0x0] =	vst.idx.msk $0xffff, v14;
	v6 =	vld [tilespmem:s19+$0x59F0];
	(pc) =	sbr.rel @p0 .LBB2_11-.Ltmp4, $4  }
0x1bc: {  	v15 =	vor.u32 s12, v2;
	[tilespmem:v12+s1+$0x0] =	vst.idx.msk $0xffff, v21;
	v12 =	vld [tilespmem:s19+$0x59D0]  }
0x1bd: {  	v14 =	vor.u32 s11, v2;
	v11 =	vld [tilespmem:s19+$0x5950];
	[tilespmem:v18+s1+$0x0] =	vst.idx.msk $0xffff, v10  }
0x1be: {  	[tilespmem:v13+s1+$0x0] =	vst.idx.msk $0xffff, v8;
	v9 =	vld [tilespmem:s19+$0x59B0];
	v13 =	vor.u32 s18, v2  }
0x1bf: {  	s14 =	sadd.s32 $0x400, s14;
	s28 =	sadd.s32 $0x200, s28;
	v10 =	vor.u32 s29, v3;
	[tilespmem:v19+s1+$0x0] =	vst.idx.msk $0xffff, v17;
	v8 =	vld [tilespmem:s19+$0xA990]  }
0x1c0: {  	_ =	sdelay $0x3  }
0x1c1: {  	[tilespmem:v16+s1+$0x0] =	vst.idx.msk $0xffff, v7  }
0x1c2: {  	v51 =	vor.u32 s22, v2;
	[tilespmem:v4+s1+$0x0] =	vst.idx.msk $0xffff, v5  }
0x1c3: {  	v54 =	vld [tilespmem:s19+$0xA910];
	v55 =	vor.u32 s7, v3;
	[tilespmem:v15+s1+$0x0] =	vst.idx.msk $0xffff, v12  }
0x1c4: {  	v50 =	vor.u32 s21, v2;
	v7 =	vld [tilespmem:s19+$0x5970];
	[tilespmem:v14+s1+$0x0] =	vst.idx.msk $0xffff, v11  }
0x1c5: {  	v59 =	vor.u32 s23, v3;
	v58 =	vld [tilespmem:s19+$0xA930];
	[tilespmem:v13+s1+$0x0] =	vst.idx.msk $0xffff, v9  }
0x1c6: {  	v57 =	vor.u32 s12, v3;
	v5 =	vld [tilespmem:s19+$0xA9D0];
	[tilespmem:v10+s1+$0x0] =	vst.idx.msk $0xffff, v8  }
0x1c7: {  	v53 =	vor.u32 s11, v3;
	v52 =	vld [tilespmem:s19+$0xA950];
	[tilespmem:v51+s1+$0x0] =	vst.idx.msk $0xffff, v6  }
0x1c8: {  	v4 =	vor.u32 s18, v3;
	v56 =	vld [tilespmem:s19+$0xA9B0];
	[tilespmem:v55+s1+$0x0] =	vst.idx.msk $0xffff, v54  }
0x1c9: {  	v62 =	vor.u32 s22, v3;
	[tilespmem:v50+s1+$0x0] =	vst.idx.msk $0xffff, v7;
	v63 =	vld [tilespmem:s19+$0xA9F0]  }
0x1ca: {  	v60 =	vor.u32 s21, v3;
	[tilespmem:v59+s1+$0x0] =	vst.idx.msk $0xffff, v58;
	v61 =	vld [tilespmem:s19+$0xA970]  }
0x1cb: {  	[tilespmem:v57+s1+$0x0] =	vst.idx.msk $0xffff, v5  }
0x1cc: {  	[tilespmem:v53+s1+$0x0] =	vst.idx.msk $0xffff, v52  }
0x1cd: {  	[tilespmem:v4+s1+$0x0] =	vst.idx.msk $0xffff, v56  }
0x1ce: {  	s7 =	sadd.s32 @!p1 $0x400, s20;
	[tilespmem:v62+s1+$0x0] =	vst.idx.msk $0xffff, v63  }
0x1cf: {  	s8 =	simm.s32 @!p1 $0x80;
	s9 =	simm.s32 @!p1 $0x4900;
	s16 =	sadd.s32 $0x1, s16;
	[tilespmem:v60+s1+$0x0] =	vst.idx.msk $0xffff, v61  }
0x1d0: {  	[tilespmem:s9], [sflag:$0x1] =	stream.indirect.gather @!p1 [hbm4b:s3+s8], $0x20, s7, s8, $0xb8;
	[tilespmem:$0x15900] =	vst v63  }
0x1d1: {  	p0 =	sne.s32 s16, $0xA;
	s9 =	simm.s32 @!p1 $0x9900  }
0x1d2: {  	[tilespmem:s9], [sflag:$0x2] =	stream.indirect.gather @!p1 [hbm4b:s4+s8], $0x20, s7, s8, $0xb8;
	[tilespmem:$0x15900] =	vst v63  }
.Ltmp5:
0x1d3: {  	s29 =	sshll.u32 s17, $0xD;
	(pc) =	sbr.rel @p0 .LBB2_2-.Ltmp5, $4  }
0x1d4: {  	s7 =	sadd.s32 s5, s29  }
0x1d5: {  	s7 =	sshrl.u32 s7, $0x3  }
0x1d6: {  	s7 =	sadd.s32 s6, s7  }
0x1d7: {  	[hbm4b:s7+s2] =	stream.linear.scatter [tilespmem:s1], [sflag:$0x3], $0x2000, $0x38;
	[tilespmem:$0x15900] =	vst v63  }
0x1d8: {  	s8 =	simm.s32 $0x3  }
0x1d9: {  	_ =	swait.ge [sflag:s8], $0x2000  }
0x1da: {  	[sflag:s8] =	ssyncset.done $0x0  }
0x1db: {  	[sflag:s8] =	ssyncadd.s32 $0xFFFFE000  }
0x1dc: {  	_ =	swait.ge [sflag:s8], $0x2000  }
0x1dd: {  	[sflag:s8] =	ssyncset.done $0x0  }
0x1de: {  	[sflag:s8] =	ssyncadd.s32 $0xFFFFE000  }
0x1df: {  	_ =	swait.ge [sflag:s8], $0x2000  }
0x1e0: {  	[sflag:s8] =	ssyncset.done $0x0  }
0x1e1: {  	[sflag:s8] =	ssyncadd.s32 $0xFFFFE000  }
0x1e2: {  	_ =	swait.ge [sflag:s8], $0x2000  }
0x1e3: {  	[sflag:s8] =	ssyncset.done $0x0  }
0x1e4: {  	[sflag:s8] =	ssyncadd.s32 $0xFFFFE000  }
0x1e5: {  	_ =	swait.ge [sflag:s8], $0x2000  }
0x1e6: {  	s9 =	rddreg [dreg:$0x8]  }
0x1e7: {  	s7 =	rddreg [dreg:$0x7];
	s9 =	sadd.s32 $0x1, s9  }
0x1e8: {  	p0 =	sne.s32 s9, s7  }
.Ltmp6:
0x1e9: {  	_ = 	snop;
	(pc) =	sbr.rel @p0 .LBB2_1-.Ltmp6, $3  }
0x1ea: {  	_ =	sdelay $0x1  }
0x1eb: {  	[sflag:s8] =	ssyncset.done $0x0  }
0x1ec: {  	[sflag:s8] =	ssyncadd.s32 $0xFFFFE000  }
0x1ed: {  	_ =	sfence.sel $0x180000  }
0x1ee: {  	[bflag:$0x0] =	sbarrier.arrive $0xFFFF  }
0x1ef: {  	_ =	strace $0x90000047  }
0x1f0: {  	s0 =	stileid.u32;
	[bflag:$0x2] =	sbarrier.arrive $0xFFFF  }
0x1f1: {  	p0 =	sne.s32 s0, $0x0;
	s0 =	rddreg [dreg:$0x2]  }
0x1f2: {  	s0 =	sadd.s32 @!p0 $0x100000, s0  }
0x1f3: {  	[sflag:s0] =	ssyncadd.tile.s32 @!p0 $0x1;
	_ =	shalt  }
.Lfunc_end2:
_tile_overlayer_lowered:
.L_overlay_start_2:
0x1f4: {  	(tag) =	ssettag $0x2  }
0x1f5: {  	s0 =	rddreg [dreg:$0x0];
	s2 =	stileid.u32  }
0x1f6: {  	s1 =	rddreg [dreg:$0x1];
	p0 =	sne.s32 s2, $0x0  }
0x1f7: {  	s3 =	rddreg [dreg:$0x2];
	[bflag:$0x3] =	sbarrier.arrive $0xFFFF;
	s2 =	simm.s32 @!p0 $0x1C04  }
0x1f8: {  	[timem:s3], [sflag:s2] =	dma.local @!p0 [hbm:s0], s1  }
0x1f9: {  	s0 =	simm.s32 @!p0 $0x4  }
0x1fa: {  	_ =	swait.ge @!p0 [sflag:s0], s1  }
0x1fb: {  	s1 =	ssub.s32 @!p0 $0x0, s1;
	[sflag:s0] =	ssyncset.done @!p0 $0x0  }
0x1fc: {  	[sflag:s0] =	ssyncadd.s32 @!p0 s1  }
0x1fd: {  	[bflag:$0x3] =	sbarrier.arrive $0xFFFF  }
0x1fe: {  	_ =	shalt  }

</sc_bundles>
